<compile_context>
chip_gen: v7x
topology: tpu7x:2x2x1
jax: 0.10.2.dev20260603
libtpu: 0.0.44.dev20260713+nightly
codegen_flags: <defaults>
</compile_context>

<pallas_src>
import functools

import numpy as np
import jax
import jax.numpy as jnp
from jax import lax
from jax.experimental import pallas as pl
from jax.experimental.pallas import tpu as pltpu
from jax.experimental.pallas import tpu_sc as plsc

K = 14
R = 16
D = 128
OUT = 128
NUM_CEL = 2 ** K
B = 4096
L = 16
HALF = OUT // 2
BBLK = 1024

_SEL = np.zeros((R * K, R), dtype=np.float32)
for _r in range(R):
    for _k in range(K):
        _SEL[_r * K + _k, _r] = float(2 ** _k)


def _hash_body(x_ref, w_ref, sel_ref, out_ref):
    proj = jnp.dot(x_ref[...], w_ref[...].T,
                   preferred_element_type=jnp.float32)
    bits = (proj > 0).astype(jnp.float32)
    codes = jnp.dot(bits, sel_ref[...], preferred_element_type=jnp.float32)
    out_ref[...] = codes.T.astype(jnp.int32)


NPAIR = HALF // 2


def _sc_gather_body(sketch_hbm, codes_hbm, g_hbm, s0_hbm, s1_hbm,
                    codes_v, sl00, sl01, sl10, sl11,
                    gp0, gp1, s_acc,
                    sem_i0, sem_i1, sem_o0, sem_o1):
    wid = lax.axis_index("s") * 2 + lax.axis_index("c")
    r = wid // 2
    half = wid % 2
    o_base = half * HALF
    slice_bufs = ((sl00, sl01), (sl10, sl11))
    g_bufs = (gp0, gp1)
    sem_i = (sem_i0, sem_i1)
    sem_o = (sem_o0, sem_o1)

    pltpu.sync_copy(codes_hbm.at[r], codes_v)

    @plsc.parallel_loop(0, B // L)
    def _(i):
        s_acc[pl.ds(i * L, L)] = jnp.zeros((L,), jnp.float32)

    def start_pair(op, slot):
        o0 = o_base + op
        pltpu.async_copy(sketch_hbm.at[o0, r], slice_bufs[slot][0],
                         sem_i[slot])
        pltpu.async_copy(sketch_hbm.at[o0 + NPAIR, r], slice_bufs[slot][1],
                         sem_i[slot])

    def wait_pair_in(slot):
        for j in range(2):
            pltpu.make_async_copy(sketch_hbm.at[0, 0],
                                  slice_bufs[slot][j], sem_i[slot]).wait()

    def wait_pair_out(op, slot):
        pltpu.make_async_copy(g_bufs[slot],
                              g_hbm.at[r, half, op], sem_o[slot]).wait()

    start_pair(0, 0)

    def outer(t, _):
        for phase in (0, 1):
            op = t * 2 + phase

            @pl.when(op < NPAIR - 1)
            def _():
                start_pair(op + 1, 1 - phase)

            wait_pair_in(phase)

            @pl.when(op >= 2)
            def _():
                wait_pair_out(op - 2, phase)

            gp = g_bufs[phase]

            @plsc.parallel_loop(0, B // L, unroll=4)
            def _(i):
                sl = pl.ds(i * L, L)
                idx = codes_v[sl]
                v0 = plsc.load_gather(slice_bufs[phase][0], [idx])
                v1 = plsc.load_gather(slice_bufs[phase][1], [idx])
                y0 = v0 * v0
                y1 = v1 * v1
                e0 = jnp.exp(y0)
                e1 = jnp.exp(y1)
                packed = plsc.pack(y0 * e0, y1 * e1,
                                   format=plsc.PackFormat.INTERLEAVED)
                gp[sl] = plsc.bitcast(packed, jnp.int32)
                plsc.addupdate(s_acc.at[sl], e0 + e1)

            pltpu.async_copy(gp, g_hbm.at[r, half, op], sem_o[phase])
        return 0

    lax.fori_loop(0, NPAIR // 2, outer, 0)
    wait_pair_out(NPAIR - 2, 0)
    wait_pair_out(NPAIR - 1, 1)

    @pl.when(half == 0)
    def _():
        pltpu.sync_copy(s_acc, s0_hbm.at[r])

    @pl.when(half == 1)
    def _():
        pltpu.sync_copy(s_acc, s1_hbm.at[r])


def _combine_body(g_ref, s0_ref, s1_ref, out_ref):
    stot = s0_ref[...] + s1_ref[...]
    rinv = (1.0 / stot)[:, None, None, :]
    w = g_ref[...]
    lo = lax.bitcast_convert_type(w << 16, jnp.float32)
    hi = lax.bitcast_convert_type(w & jnp.int32(-65536), jnp.float32)
    acc_lo = jnp.sum(lo * rinv, axis=0)
    acc_hi = jnp.sum(hi * rinv, axis=0)
    acc = jnp.stack([acc_lo, acc_hi], axis=1)
    out_ref[...] = acc.reshape(OUT, BBLK).T * (1.0 / R)


@jax.jit
def kernel(X, sketch, srp_W):
    sel = jnp.asarray(_SEL)
    codes_t = pl.pallas_call(
        _hash_body,
        out_shape=jax.ShapeDtypeStruct((R, B), jnp.int32),
    )(X, srp_W, sel)

    mesh = plsc.VectorSubcoreMesh(core_axis_name="c", subcore_axis_name="s")
    g, s0, s1 = pl.kernel(
        _sc_gather_body,
        mesh=mesh,
        compiler_params=pltpu.CompilerParams(needs_layout_passes=False),
        out_type=[
            jax.ShapeDtypeStruct((R, 2, NPAIR, B), jnp.int32),
            jax.ShapeDtypeStruct((R, B), jnp.float32),
            jax.ShapeDtypeStruct((R, B), jnp.float32),
        ],
        scratch_types=[
            pltpu.VMEM((B,), jnp.int32),
            pltpu.VMEM((NUM_CEL,), jnp.float32),
            pltpu.VMEM((NUM_CEL,), jnp.float32),
            pltpu.VMEM((NUM_CEL,), jnp.float32),
            pltpu.VMEM((NUM_CEL,), jnp.float32),
            pltpu.VMEM((B,), jnp.int32),
            pltpu.VMEM((B,), jnp.int32),
            pltpu.VMEM((B,), jnp.float32),
            pltpu.SemaphoreType.DMA,
            pltpu.SemaphoreType.DMA,
            pltpu.SemaphoreType.DMA,
            pltpu.SemaphoreType.DMA,
        ],
    )(sketch, codes_t)

    predict = pl.pallas_call(
        _combine_body,
        grid=(B // BBLK,),
        in_specs=[
            pl.BlockSpec((R, 2, NPAIR, BBLK), lambda i: (0, 0, 0, i)),
            pl.BlockSpec((R, BBLK), lambda i: (0, i)),
            pl.BlockSpec((R, BBLK), lambda i: (0, i)),
        ],
        out_specs=pl.BlockSpec((BBLK, OUT), lambda i: (i, 0)),
        out_shape=jax.ShapeDtypeStruct((B, OUT), jnp.float32),
    )(g, s0, s1)
    return predict

# --- scband reference (transcript-rebuilt; emitter-appended) ---
"""Pipeline reference for scband-sketch-network-7859790151921 (READ-ONLY COPY).

The authoritative reference and input builder live on the scoring server;
editing this copy changes nothing except your own understanding.
"""

import jax, jax.numpy as jnp
import numpy as np

K = 14
R = 16
D = 128
OUT = 128
NUM_CEL = 2 ** K
BATCH = 4096


def setup_inputs(seed: int = 0) -> dict:
    key = jax.random.key(seed)
    k1, k2, k3 = jax.random.split(key, 3)
    X = jax.random.normal(k1, (BATCH, D), dtype=jnp.float32)
    # learned sketch parameter, init normal(0, 1e-4) as in the torch module
    sketch = jax.random.normal(k2, (OUT, R, NUM_CEL), dtype=jnp.float32) * 1e-4
    # SRP signed-random-projection matrix (fixed hash params, not trained)
    srp_W = jax.random.normal(k3, (R * K, D), dtype=jnp.float32)
    return {"X": X, "sketch": sketch, "srp_W": srp_W}


def _srp_hash(X, W):
    # Signed random projection hashing: K sign bits per repetition -> integer in [0, 2^K)
    proj = X @ W.T  # [B, R*K]
    bits = (proj > 0).astype(jnp.int32).reshape(X.shape[0], R, K)
    pows = (2 ** jnp.arange(K, dtype=jnp.int32))
    codes = jnp.sum(bits * pows, axis=-1)  # [B, R] in [0, NUM_CEL)
    # torch.gather(out_sketch, dim=2, index=hashcode) expects hashcode [OUT, R, B]
    hashcode = jnp.broadcast_to(codes.T[None, :, :], (OUT, R, X.shape[0]))
    return hashcode.astype(jnp.int32)


def reference(X, sketch, srp_W):
    # forward with hash_func='SRP', backprop=None, dropout_rate=0.0, aggregation='avg'
    hashcode = jax.lax.stop_gradient(_srp_hash(X, srp_W))  # computed under torch.no_grad()
    # gate(): inner = sketch*sketch; softmax over dim 0; out = inner * g_prob
    inner = sketch * sketch
    g_prob = jax.nn.softmax(inner, axis=0)
    out_sketch = inner * g_prob
    # gather along cell dim
    alphas = jnp.take_along_axis(out_sketch, hashcode, axis=2)  # [OUT, R, B]
    alphas = jnp.transpose(alphas, (2, 0, 1))  # [B, OUT, R]
    predict = jnp.mean(alphas, axis=2)  # [B, OUT]
    return predict

if __name__ == "__main__":
    import jax
    _d = setup_inputs()
    print(jax.jit(kernel)(*tuple(_d.values())))

</pallas_src>

<mosaic_0001>
#map = affine_map<(d0, d1) -> (0, 0, 0)>
#map1 = affine_map<(d0, d1) -> (0, 0)>
#map2 = affine_map<(d0, d1) -> (0, 0, 0, 0)>
module attributes {stable_mosaic.version = 14 : i64} {
  func.func @_sc_gather_body(%arg0: i32, %arg1: i32, %arg2: memref<128x16x16384xf32, #tpu.memory_space<hbm>>, %arg3: memref<16x4096xi32, #tpu.memory_space<hbm>>, %arg4: memref<16x2x32x4096xi32, #tpu.memory_space<hbm>>, %arg5: memref<16x4096xf32, #tpu.memory_space<hbm>>, %arg6: memref<16x4096xf32, #tpu.memory_space<hbm>>, %arg7: memref<4096xi32, #tpu.memory_space<vmem>>, %arg8: memref<16384xf32, #tpu.memory_space<vmem>>, %arg9: memref<16384xf32, #tpu.memory_space<vmem>>, %arg10: memref<16384xf32, #tpu.memory_space<vmem>>, %arg11: memref<16384xf32, #tpu.memory_space<vmem>>, %arg12: memref<4096xi32, #tpu.memory_space<vmem>>, %arg13: memref<4096xi32, #tpu.memory_space<vmem>>, %arg14: memref<4096xf32, #tpu.memory_space<vmem>>, %arg15: memref<!tpu.dma_semaphore, #tpu.memory_space<semaphore_mem>>, %arg16: memref<!tpu.dma_semaphore, #tpu.memory_space<semaphore_mem>>, %arg17: memref<!tpu.dma_semaphore, #tpu.memory_space<semaphore_mem>>, %arg18: memref<!tpu.dma_semaphore, #tpu.memory_space<semaphore_mem>>) attributes {dimension_semantics = [#tpu.dimension_semantics<core_parallel>, #tpu.dimension_semantics<subcore_parallel>], iteration_bounds = array<i64: 2, 16>, scalar_prefetch = 0 : i64, scratch_operands = 12 : i64, tpu.core_type = #tpu.core_type<sc_vector_subcore>, window_params = [{transform_indices = #map}, {transform_indices = #map1}, {transform_indices = #map2}, {transform_indices = #map1}, {transform_indices = #map1}]} {
    %mul3A = arith.constant 2 : i32
    %mul3A_0 = arith.muli %arg1, %mul3A : i32
    %add3A = arith.addi %mul3A_0, %arg0 : i32
    %jit3A = arith.constant 2 : i32
    %div3A = arith.divsi %add3A, %jit3A : i32
    %sign3A = arith.constant 0 : i32
    %sign3A_1 = arith.cmpi sgt, %add3A, %sign3A : i32
    %sign3A_2 = arith.extui %sign3A_1 : i1 to i32
    %sign3A_3 = arith.constant 0 : i32
    %sign3A_4 = arith.cmpi slt, %add3A, %sign3A_3 : i32
    %sign3A_5 = arith.extui %sign3A_4 : i1 to i32
    %sign3A_6 = arith.subi %sign3A_2, %sign3A_5 : i32
    %sign3A_7 = arith.constant 0 : i32
    %sign3A_8 = arith.cmpi sgt, %jit3A, %sign3A_7 : i32
    %sign3A_9 = arith.extui %sign3A_8 : i1 to i32
    %sign3A_10 = arith.constant 0 : i32
    %sign3A_11 = arith.cmpi slt, %jit3A, %sign3A_10 : i32
    %sign3A_12 = arith.extui %sign3A_11 : i1 to i32
    %sign3A_13 = arith.subi %sign3A_9, %sign3A_12 : i32
    %ne3A = arith.cmpi ne, %sign3A_6, %sign3A_13 : i32
    %rem3A = arith.remsi %add3A, %jit3A : i32
    %ne3A_14 = arith.constant 0 : i32
    %ne3A_15 = arith.cmpi ne, %rem3A, %ne3A_14 : i32
    %and3A = arith.andi %ne3A, %ne3A_15 : i1
    %sub3A = arith.constant 1 : i32
    %sub3A_16 = arith.subi %div3A, %sub3A : i32
    %select_n3A = arith.select %and3A, %sub3A_16, %div3A : i32
    %jit3A_17 = arith.constant 2 : i32
    %eq3A = arith.constant 0 : i32
    %eq3A_18 = arith.cmpi eq, %jit3A_17, %eq3A : i32
    %jit3A_19 = arith.constant 1 : i32
    %select_n3A_20 = arith.select %eq3A_18, %jit3A_19, %jit3A_17 : i32
    %rem3A_21 = arith.remsi %add3A, %select_n3A_20 : i32
    %ne3A_22 = arith.constant 0 : i32
    %ne3A_23 = arith.cmpi ne, %rem3A_21, %ne3A_22 : i32
    %lt3A = arith.constant 0 : i32
    %lt3A_24 = arith.cmpi slt, %rem3A_21, %lt3A : i32
    %lt3A_25 = arith.constant 0 : i32
    %lt3A_26 = arith.cmpi slt, %select_n3A_20, %lt3A_25 : i32
    %ne3A_27 = arith.xori %lt3A_24, %lt3A_26 : i1
    %and3A_28 = arith.andi %ne3A_27, %ne3A_23 : i1
    %add3A_29 = arith.addi %rem3A_21, %select_n3A_20 : i32
    %select_n3A_30 = arith.select %and3A_28, %add3A_29, %rem3A_21 : i32
    %mul3A_31 = arith.constant 64 : i32
    %mul3A_32 = arith.muli %select_n3A_30, %mul3A_31 : i32
    "tpu.region"() ({
      %run_scoped3A = tpu.sem_alloc : memref<!tpu.dma_semaphore, #tpu.memory_space<semaphore_mem>>
      %dma_start3A_77 = arith.constant 0 : i32
      %dma_start3A_78 = tpu.memref_slice %arg3[%select_n3A, %dma_start3A_77] : memref<16x4096xi32, #tpu.memory_space<hbm>> -> memref<1x4096xi32, #tpu.memory_space<hbm>>
      %dma_start3A_79 = tpu.memref_squeeze %dma_start3A_78 : memref<1x4096xi32, #tpu.memory_space<hbm>> -> memref<4096xi32, #tpu.memory_space<hbm>>
      %dma_start3A_80 = arith.constant 0 : i32
      %dma_start3A_81 = tpu.memref_slice %arg3[%select_n3A, %dma_start3A_80] : memref<16x4096xi32, #tpu.memory_space<hbm>> -> memref<1x4096xi32, #tpu.memory_space<hbm>>
      %dma_start3A_82 = tpu.memref_squeeze %dma_start3A_81 : memref<1x4096xi32, #tpu.memory_space<hbm>> -> memref<4096xi32, #tpu.memory_space<hbm>>
      tpu.enqueue_dma source(%dma_start3A_82 : memref<4096xi32, #tpu.memory_space<hbm>>) target(%arg7 : memref<4096xi32, #tpu.memory_space<vmem>>) target_semaphore(%run_scoped3A : memref<!tpu.dma_semaphore, #tpu.memory_space<semaphore_mem>>)
      %dma_wait3A_83 = arith.constant 0 : i32
      %dma_wait3A_84 = tpu.memref_slice %arg3[%select_n3A, %dma_wait3A_83] : memref<16x4096xi32, #tpu.memory_space<hbm>> -> memref<1x4096xi32, #tpu.memory_space<hbm>>
      %dma_wait3A_85 = tpu.memref_squeeze %dma_wait3A_84 : memref<1x4096xi32, #tpu.memory_space<hbm>> -> memref<4096xi32, #tpu.memory_space<hbm>>
      %dma_wait3A_86 = arith.constant 0 : i32
      %dma_wait3A_87 = tpu.memref_slice %arg3[%select_n3A, %dma_wait3A_86] : memref<16x4096xi32, #tpu.memory_space<hbm>> -> memref<1x4096xi32, #tpu.memory_space<hbm>>
      %dma_wait3A_88 = tpu.memref_squeeze %dma_wait3A_87 : memref<1x4096xi32, #tpu.memory_space<hbm>> -> memref<4096xi32, #tpu.memory_space<hbm>>
      tpu.wait_dma2 semaphore(%run_scoped3A : memref<!tpu.dma_semaphore, #tpu.memory_space<semaphore_mem>>) src(%dma_wait3A_88 : memref<4096xi32, #tpu.memory_space<hbm>>) dst(%arg7 : memref<4096xi32, #tpu.memory_space<vmem>>)
      tpu.yield
    }) : () -> ()
    %parallel_loop3A = arith.constant 0 : i32
    %parallel_loop3A_33 = arith.constant 256 : i32
    %parallel_loop3A_34 = arith.constant 1 : i32
    scf.for %parallel_loop3A_77 = %parallel_loop3A to %parallel_loop3A_33 step %parallel_loop3A_34  : i32 {
      %parallel_loop3A_78 = arith.constant 0.000000e+00 : f32
      %parallel_loop3A_79 = vector.broadcast %parallel_loop3A_78 : f32 to vector<16xf32>
      %parallel_loop3A_80 = arith.constant 16 : i32
      %parallel_loop3A_81 = arith.muli %parallel_loop3A_77, %parallel_loop3A_80 : i32
      %parallel_loop3A_82 = arith.index_cast %parallel_loop3A_81 : i32 to index
      %parallel_loop3A_83 = tpu.vector_load %arg14[%parallel_loop3A_82] {strides = array<i32>} : memref<4096xf32, #tpu.memory_space<vmem>>, vector<16xf32>,
      tpu.vector_store %arg14[%parallel_loop3A_82], %parallel_loop3A_79 {strides = array<i32>} : memref<4096xf32, #tpu.memory_space<vmem>>, vector<16xf32>,
    } {sc.loop_unroll_factor = 1 : i64, sc.parallel_access}
    %add3A_35 = arith.constant 0 : i32
    %add3A_36 = arith.addi %mul3A_32, %add3A_35 : i32
    %dma_start3A = arith.constant 0 : i32
    %dma_start3A_37 = tpu.memref_slice %arg2[%add3A_36, %select_n3A, %dma_start3A] : memref<128x16x16384xf32, #tpu.memory_space<hbm>> -> memref<1x1x16384xf32, #tpu.memory_space<hbm>>
    %dma_start3A_38 = tpu.memref_squeeze %dma_start3A_37 : memref<1x1x16384xf32, #tpu.memory_space<hbm>> -> memref<16384xf32, #tpu.memory_space<hbm>>
    %dma_start3A_39 = arith.constant 0 : i32
    %dma_start3A_40 = tpu.memref_slice %arg2[%add3A_36, %select_n3A, %dma_start3A_39] : memref<128x16x16384xf32, #tpu.memory_space<hbm>> -> memref<1x1x16384xf32, #tpu.memory_space<hbm>>
    %dma_start3A_41 = tpu.memref_squeeze %dma_start3A_40 : memref<1x1x16384xf32, #tpu.memory_space<hbm>> -> memref<16384xf32, #tpu.memory_space<hbm>>
    tpu.enqueue_dma source(%dma_start3A_41 : memref<16384xf32, #tpu.memory_space<hbm>>) target(%arg8 : memref<16384xf32, #tpu.memory_space<vmem>>) target_semaphore(%arg15 : memref<!tpu.dma_semaphore, #tpu.memory_space<semaphore_mem>>)
    %add3A_42 = arith.constant 32 : i32
    %add3A_43 = arith.addi %add3A_36, %add3A_42 : i32
    %dma_start3A_44 = arith.constant 0 : i32
    %dma_start3A_45 = tpu.memref_slice %arg2[%add3A_43, %select_n3A, %dma_start3A_44] : memref<128x16x16384xf32, #tpu.memory_space<hbm>> -> memref<1x1x16384xf32, #tpu.memory_space<hbm>>
    %dma_start3A_46 = tpu.memref_squeeze %dma_start3A_45 : memref<1x1x16384xf32, #tpu.memory_space<hbm>> -> memref<16384xf32, #tpu.memory_space<hbm>>
    %dma_start3A_47 = arith.constant 0 : i32
    %dma_start3A_48 = tpu.memref_slice %arg2[%add3A_43, %select_n3A, %dma_start3A_47] : memref<128x16x16384xf32, #tpu.memory_space<hbm>> -> memref<1x1x16384xf32, #tpu.memory_space<hbm>>
    %dma_start3A_49 = tpu.memref_squeeze %dma_start3A_48 : memref<1x1x16384xf32, #tpu.memory_space<hbm>> -> memref<16384xf32, #tpu.memory_space<hbm>>
    tpu.enqueue_dma source(%dma_start3A_49 : memref<16384xf32, #tpu.memory_space<hbm>>) target(%arg9 : memref<16384xf32, #tpu.memory_space<vmem>>) target_semaphore(%arg15 : memref<!tpu.dma_semaphore, #tpu.memory_space<semaphore_mem>>)
    %scan3A = arith.constant 0 : i32
    %scan3A_50 = arith.constant 0 : i32
    %scan3A_51 = arith.constant 16 : i32
    %scan3A_52 = arith.addi %scan3A_50, %scan3A_51 : i32
    %scan3A_53 = arith.constant 1 : i32
    %scan3A_54 = scf.for %scan3A_77 = %scan3A_50 to %scan3A_52 step %scan3A_53 iter_args(%scan3A_78 = %scan3A) -> (i32)  : i32 {
      %mul3A_79 = arith.constant 2 : i32
      %mul3A_80 = arith.muli %scan3A_77, %mul3A_79 : i32
      %add3A_81 = arith.constant 0 : i32
      %add3A_82 = arith.addi %mul3A_80, %add3A_81 : i32
      %lt3A_83 = arith.constant 31 : i32
      %lt3A_84 = arith.cmpi slt, %add3A_82, %lt3A_83 : i32
      %convert_element_type3A_85 = arith.extui %lt3A_84 : i1 to i32
      %cond3A_86 = arith.constant 0 : i32
      %cond3A_87 = arith.cmpi ne, %convert_element_type3A_85, %cond3A_86 : i32
      scf.if %cond3A_87 {
        %add3A_157 = arith.constant 1 : i32
        %add3A_158 = arith.addi %add3A_82, %add3A_157 : i32
        %add3A_159 = arith.addi %mul3A_32, %add3A_158 : i32
        %dma_start3A_160 = arith.constant 0 : i32
        %dma_start3A_161 = tpu.memref_slice %arg2[%add3A_159, %select_n3A, %dma_start3A_160] : memref<128x16x16384xf32, #tpu.memory_space<hbm>> -> memref<1x1x16384xf32, #tpu.memory_space<hbm>>
        %dma_start3A_162 = tpu.memref_squeeze %dma_start3A_161 : memref<1x1x16384xf32, #tpu.memory_space<hbm>> -> memref<16384xf32, #tpu.memory_space<hbm>>
        %dma_start3A_163 = arith.constant 0 : i32
        %dma_start3A_164 = tpu.memref_slice %arg2[%add3A_159, %select_n3A, %dma_start3A_163] : memref<128x16x16384xf32, #tpu.memory_space<hbm>> -> memref<1x1x16384xf32, #tpu.memory_space<hbm>>
        %dma_start3A_165 = tpu.memref_squeeze %dma_start3A_164 : memref<1x1x16384xf32, #tpu.memory_space<hbm>> -> memref<16384xf32, #tpu.memory_space<hbm>>
        tpu.enqueue_dma source(%dma_start3A_165 : memref<16384xf32, #tpu.memory_space<hbm>>) target(%arg10 : memref<16384xf32, #tpu.memory_space<vmem>>) target_semaphore(%arg16 : memref<!tpu.dma_semaphore, #tpu.memory_space<semaphore_mem>>)
        %add3A_166 = arith.constant 32 : i32
        %add3A_167 = arith.addi %add3A_159, %add3A_166 : i32
        %dma_start3A_168 = arith.constant 0 : i32
        %dma_start3A_169 = tpu.memref_slice %arg2[%add3A_167, %select_n3A, %dma_start3A_168] : memref<128x16x16384xf32, #tpu.memory_space<hbm>> -> memref<1x1x16384xf32, #tpu.memory_space<hbm>>
        %dma_start3A_170 = tpu.memref_squeeze %dma_start3A_169 : memref<1x1x16384xf32, #tpu.memory_space<hbm>> -> memref<16384xf32, #tpu.memory_space<hbm>>
        %dma_start3A_171 = arith.constant 0 : i32
        %dma_start3A_172 = tpu.memref_slice %arg2[%add3A_167, %select_n3A, %dma_start3A_171] : memref<128x16x16384xf32, #tpu.memory_space<hbm>> -> memref<1x1x16384xf32, #tpu.memory_space<hbm>>
        %dma_start3A_173 = tpu.memref_squeeze %dma_start3A_172 : memref<1x1x16384xf32, #tpu.memory_space<hbm>> -> memref<16384xf32, #tpu.memory_space<hbm>>
        tpu.enqueue_dma source(%dma_start3A_173 : memref<16384xf32, #tpu.memory_space<hbm>>) target(%arg11 : memref<16384xf32, #tpu.memory_space<vmem>>) target_semaphore(%arg16 : memref<!tpu.dma_semaphore, #tpu.memory_space<semaphore_mem>>)
      } else {
      }
      %dma_wait3A_88 = arith.constant 0 : i32
      %dma_wait3A_89 = arith.constant 0 : i32
      %dma_wait3A_90 = arith.constant 0 : i32
      %dma_wait3A_91 = tpu.memref_slice %arg2[%dma_wait3A_88, %dma_wait3A_89, %dma_wait3A_90] : memref<128x16x16384xf32, #tpu.memory_space<hbm>> -> memref<1x1x16384xf32, #tpu.memory_space<hbm>>
      %dma_wait3A_92 = tpu.memref_squeeze %dma_wait3A_91 : memref<1x1x16384xf32, #tpu.memory_space<hbm>> -> memref<16384xf32, #tpu.memory_space<hbm>>
      %dma_wait3A_93 = arith.constant 0 : i32
      %dma_wait3A_94 = tpu.memref_slice %arg2[%dma_wait3A_88, %dma_wait3A_89, %dma_wait3A_93] : memref<128x16x16384xf32, #tpu.memory_space<hbm>> -> memref<1x1x16384xf32, #tpu.memory_space<hbm>>
      %dma_wait3A_95 = tpu.memref_squeeze %dma_wait3A_94 : memref<1x1x16384xf32, #tpu.memory_space<hbm>> -> memref<16384xf32, #tpu.memory_space<hbm>>
      tpu.wait_dma2 semaphore(%arg15 : memref<!tpu.dma_semaphore, #tpu.memory_space<semaphore_mem>>) src(%dma_wait3A_95 : memref<16384xf32, #tpu.memory_space<hbm>>) dst(%arg8 : memref<16384xf32, #tpu.memory_space<vmem>>)
      %dma_wait3A_96 = arith.constant 0 : i32
      %dma_wait3A_97 = arith.constant 0 : i32
      %dma_wait3A_98 = arith.constant 0 : i32
      %dma_wait3A_99 = tpu.memref_slice %arg2[%dma_wait3A_96, %dma_wait3A_97, %dma_wait3A_98] : memref<128x16x16384xf32, #tpu.memory_space<hbm>> -> memref<1x1x16384xf32, #tpu.memory_space<hbm>>
      %dma_wait3A_100 = tpu.memref_squeeze %dma_wait3A_99 : memref<1x1x16384xf32, #tpu.memory_space<hbm>> -> memref<16384xf32, #tpu.memory_space<hbm>>
      %dma_wait3A_101 = arith.constant 0 : i32
      %dma_wait3A_102 = tpu.memref_slice %arg2[%dma_wait3A_96, %dma_wait3A_97, %dma_wait3A_101] : memref<128x16x16384xf32, #tpu.memory_space<hbm>> -> memref<1x1x16384xf32, #tpu.memory_space<hbm>>
      %dma_wait3A_103 = tpu.memref_squeeze %dma_wait3A_102 : memref<1x1x16384xf32, #tpu.memory_space<hbm>> -> memref<16384xf32, #tpu.memory_space<hbm>>
      tpu.wait_dma2 semaphore(%arg15 : memref<!tpu.dma_semaphore, #tpu.memory_space<semaphore_mem>>) src(%dma_wait3A_103 : memref<16384xf32, #tpu.memory_space<hbm>>) dst(%arg9 : memref<16384xf32, #tpu.memory_space<vmem>>)
      %ge3A = arith.constant 2 : i32
      %ge3A_104 = arith.cmpi sge, %add3A_82, %ge3A : i32
      %convert_element_type3A_105 = arith.extui %ge3A_104 : i1 to i32
      %cond3A_106 = arith.constant 0 : i32
      %cond3A_107 = arith.cmpi ne, %convert_element_type3A_105, %cond3A_106 : i32
      scf.if %cond3A_107 {
        %sub3A_157 = arith.constant 2 : i32
        %sub3A_158 = arith.subi %add3A_82, %sub3A_157 : i32
        %dma_wait3A_159 = arith.constant 0 : i32
        %dma_wait3A_160 = tpu.memref_slice %arg4[%select_n3A, %select_n3A_30, %sub3A_158, %dma_wait3A_159] : memref<16x2x32x4096xi32, #tpu.memory_space<hbm>> -> memref<1x1x1x4096xi32, #tpu.memory_space<hbm>>
        %dma_wait3A_161 = tpu.memref_squeeze %dma_wait3A_160 : memref<1x1x1x4096xi32, #tpu.memory_space<hbm>> -> memref<4096xi32, #tpu.memory_space<hbm>>
        %dma_wait3A_162 = arith.constant 0 : i32
        %dma_wait3A_163 = tpu.memref_slice %arg4[%select_n3A, %select_n3A_30, %sub3A_158, %dma_wait3A_162] : memref<16x2x32x4096xi32, #tpu.memory_space<hbm>> -> memref<1x1x1x4096xi32, #tpu.memory_space<hbm>>
        %dma_wait3A_164 = tpu.memref_squeeze %dma_wait3A_163 : memref<1x1x1x4096xi32, #tpu.memory_space<hbm>> -> memref<4096xi32, #tpu.memory_space<hbm>>
        tpu.wait_dma2 semaphore(%arg17 : memref<!tpu.dma_semaphore, #tpu.memory_space<semaphore_mem>>) src(%arg12 : memref<4096xi32, #tpu.memory_space<vmem>>) dst(%dma_wait3A_164 : memref<4096xi32, #tpu.memory_space<hbm>>)
      } else {
      }
      %parallel_loop3A_108 = arith.constant 0 : i32
      %parallel_loop3A_109 = arith.constant 256 : i32
      %parallel_loop3A_110 = arith.constant 1 : i32
      scf.for %parallel_loop3A_157 = %parallel_loop3A_108 to %parallel_loop3A_109 step %parallel_loop3A_110  : i32 {
        %parallel_loop3A_158 = arith.constant 16 : i32
        %parallel_loop3A_159 = arith.muli %parallel_loop3A_157, %parallel_loop3A_158 : i32
        %parallel_loop3A_160 = arith.index_cast %parallel_loop3A_159 : i32 to index
        %parallel_loop3A_161 = tpu.vector_load %arg7[%parallel_loop3A_160] {strides = array<i32>} : memref<4096xi32, #tpu.memory_space<vmem>>, vector<16xi32>,
        %parallel_loop3A_162 = tpu.vector_load_idx %arg8[%parallel_loop3A_161] : memref<16384xf32, #tpu.memory_space<vmem>>[vector<16xi32>], vector<16xf32>,
        %parallel_loop3A_163 = tpu.vector_load_idx %arg9[%parallel_loop3A_161] : memref<16384xf32, #tpu.memory_space<vmem>>[vector<16xi32>], vector<16xf32>,
        %parallel_loop3A_164 = arith.mulf %parallel_loop3A_162, %parallel_loop3A_162 : vector<16xf32>
        %parallel_loop3A_165 = arith.mulf %parallel_loop3A_163, %parallel_loop3A_163 : vector<16xf32>
        %parallel_loop3A_166 = math.exp %parallel_loop3A_164 : vector<16xf32>
        %parallel_loop3A_167 = math.exp %parallel_loop3A_165 : vector<16xf32>
        %parallel_loop3A_168 = arith.mulf %parallel_loop3A_164, %parallel_loop3A_166 : vector<16xf32>
        %parallel_loop3A_169 = arith.mulf %parallel_loop3A_165, %parallel_loop3A_167 : vector<16xf32>
        %parallel_loop3A_170 = tpu.pack_subelements %parallel_loop3A_168, %parallel_loop3A_169 {pack_format = #tpu.pack_format<interleaved>, positions = array<i32: 0, 1>} : vector<16xf32>, vector<16xf32> -> vector<32xbf16>
        %parallel_loop3A_171 = vector.bitcast %parallel_loop3A_170 : vector<32xbf16> to vector<16xi32>
        %parallel_loop3A_172 = arith.index_cast %parallel_loop3A_159 : i32 to index
        %parallel_loop3A_173 = tpu.vector_load %arg12[%parallel_loop3A_172] {strides = array<i32>} : memref<4096xi32, #tpu.memory_space<vmem>>, vector<16xi32>,
        tpu.vector_store %arg12[%parallel_loop3A_172], %parallel_loop3A_171 {strides = array<i32>} : memref<4096xi32, #tpu.memory_space<vmem>>, vector<16xi32>,
        %parallel_loop3A_174 = arith.addf %parallel_loop3A_166, %parallel_loop3A_167 : vector<16xf32>
        %parallel_loop3A_175 = arith.index_cast %parallel_loop3A_159 : i32 to index
        %parallel_loop3A_176 = tpu.vector_load %arg14[%parallel_loop3A_175] {strides = array<i32>} : memref<4096xf32, #tpu.memory_space<vmem>>, vector<16xf32>,
        tpu.vector_store %arg14[%parallel_loop3A_175], %parallel_loop3A_174 {add = true, strides = array<i32>} : memref<4096xf32, #tpu.memory_space<vmem>>, vector<16xf32>,
      } {sc.loop_unroll_factor = 4 : i64, sc.parallel_access}
      %dma_start3A_111 = arith.constant 0 : i32
      %dma_start3A_112 = tpu.memref_slice %arg4[%select_n3A, %select_n3A_30, %add3A_82, %dma_start3A_111] : memref<16x2x32x4096xi32, #tpu.memory_space<hbm>> -> memref<1x1x1x4096xi32, #tpu.memory_space<hbm>>
      %dma_start3A_113 = tpu.memref_squeeze %dma_start3A_112 : memref<1x1x1x4096xi32, #tpu.memory_space<hbm>> -> memref<4096xi32, #tpu.memory_space<hbm>>
      %dma_start3A_114 = arith.constant 0 : i32
      %dma_start3A_115 = tpu.memref_slice %arg4[%select_n3A, %select_n3A_30, %add3A_82, %dma_start3A_114] : memref<16x2x32x4096xi32, #tpu.memory_space<hbm>> -> memref<1x1x1x4096xi32, #tpu.memory_space<hbm>>
      %dma_start3A_116 = tpu.memref_squeeze %dma_start3A_115 : memref<1x1x1x4096xi32, #tpu.memory_space<hbm>> -> memref<4096xi32, #tpu.memory_space<hbm>>
      tpu.enqueue_dma source(%arg12 : memref<4096xi32, #tpu.memory_space<vmem>>) target(%dma_start3A_116 : memref<4096xi32, #tpu.memory_space<hbm>>) target_semaphore(%arg17 : memref<!tpu.dma_semaphore, #tpu.memory_space<semaphore_mem>>)
      %mul3A_117 = arith.constant 2 : i32
      %mul3A_118 = arith.muli %scan3A_77, %mul3A_117 : i32
      %add3A_119 = arith.constant 1 : i32
      %add3A_120 = arith.addi %mul3A_118, %add3A_119 : i32
      %lt3A_121 = arith.constant 31 : i32
      %lt3A_122 = arith.cmpi slt, %add3A_120, %lt3A_121 : i32
      %convert_element_type3A_123 = arith.extui %lt3A_122 : i1 to i32
      %cond3A_124 = arith.constant 0 : i32
      %cond3A_125 = arith.cmpi ne, %convert_element_type3A_123, %cond3A_124 : i32
      scf.if %cond3A_125 {
        %add3A_157 = arith.constant 1 : i32
        %add3A_158 = arith.addi %add3A_120, %add3A_157 : i32
        %add3A_159 = arith.addi %mul3A_32, %add3A_158 : i32
        %dma_start3A_160 = arith.constant 0 : i32
        %dma_start3A_161 = tpu.memref_slice %arg2[%add3A_159, %select_n3A, %dma_start3A_160] : memref<128x16x16384xf32, #tpu.memory_space<hbm>> -> memref<1x1x16384xf32, #tpu.memory_space<hbm>>
        %dma_start3A_162 = tpu.memref_squeeze %dma_start3A_161 : memref<1x1x16384xf32, #tpu.memory_space<hbm>> -> memref<16384xf32, #tpu.memory_space<hbm>>
        %dma_start3A_163 = arith.constant 0 : i32
        %dma_start3A_164 = tpu.memref_slice %arg2[%add3A_159, %select_n3A, %dma_start3A_163] : memref<128x16x16384xf32, #tpu.memory_space<hbm>> -> memref<1x1x16384xf32, #tpu.memory_space<hbm>>
        %dma_start3A_165 = tpu.memref_squeeze %dma_start3A_164 : memref<1x1x16384xf32, #tpu.memory_space<hbm>> -> memref<16384xf32, #tpu.memory_space<hbm>>
        tpu.enqueue_dma source(%dma_start3A_165 : memref<16384xf32, #tpu.memory_space<hbm>>) target(%arg8 : memref<16384xf32, #tpu.memory_space<vmem>>) target_semaphore(%arg15 : memref<!tpu.dma_semaphore, #tpu.memory_space<semaphore_mem>>)
        %add3A_166 = arith.constant 32 : i32
        %add3A_167 = arith.addi %add3A_159, %add3A_166 : i32
        %dma_start3A_168 = arith.constant 0 : i32
        %dma_start3A_169 = tpu.memref_slice %arg2[%add3A_167, %select_n3A, %dma_start3A_168] : memref<128x16x16384xf32, #tpu.memory_space<hbm>> -> memref<1x1x16384xf32, #tpu.memory_space<hbm>>
        %dma_start3A_170 = tpu.memref_squeeze %dma_start3A_169 : memref<1x1x16384xf32, #tpu.memory_space<hbm>> -> memref<16384xf32, #tpu.memory_space<hbm>>
        %dma_start3A_171 = arith.constant 0 : i32
        %dma_start3A_172 = tpu.memref_slice %arg2[%add3A_167, %select_n3A, %dma_start3A_171] : memref<128x16x16384xf32, #tpu.memory_space<hbm>> -> memref<1x1x16384xf32, #tpu.memory_space<hbm>>
        %dma_start3A_173 = tpu.memref_squeeze %dma_start3A_172 : memref<1x1x16384xf32, #tpu.memory_space<hbm>> -> memref<16384xf32, #tpu.memory_space<hbm>>
        tpu.enqueue_dma source(%dma_start3A_173 : memref<16384xf32, #tpu.memory_space<hbm>>) target(%arg9 : memref<16384xf32, #tpu.memory_space<vmem>>) target_semaphore(%arg15 : memref<!tpu.dma_semaphore, #tpu.memory_space<semaphore_mem>>)
      } else {
      }
      %dma_wait3A_126 = arith.constant 0 : i32
      %dma_wait3A_127 = arith.constant 0 : i32
      %dma_wait3A_128 = arith.constant 0 : i32
      %dma_wait3A_129 = tpu.memref_slice %arg2[%dma_wait3A_126, %dma_wait3A_127, %dma_wait3A_128] : memref<128x16x16384xf32, #tpu.memory_space<hbm>> -> memref<1x1x16384xf32, #tpu.memory_space<hbm>>
      %dma_wait3A_130 = tpu.memref_squeeze %dma_wait3A_129 : memref<1x1x16384xf32, #tpu.memory_space<hbm>> -> memref<16384xf32, #tpu.memory_space<hbm>>
      %dma_wait3A_131 = arith.constant 0 : i32
      %dma_wait3A_132 = tpu.memref_slice %arg2[%dma_wait3A_126, %dma_wait3A_127, %dma_wait3A_131] : memref<128x16x16384xf32, #tpu.memory_space<hbm>> -> memref<1x1x16384xf32, #tpu.memory_space<hbm>>
      %dma_wait3A_133 = tpu.memref_squeeze %dma_wait3A_132 : memref<1x1x16384xf32, #tpu.memory_space<hbm>> -> memref<16384xf32, #tpu.memory_space<hbm>>
      tpu.wait_dma2 semaphore(%arg16 : memref<!tpu.dma_semaphore, #tpu.memory_space<semaphore_mem>>) src(%dma_wait3A_133 : memref<16384xf32, #tpu.memory_space<hbm>>) dst(%arg10 : memref<16384xf32, #tpu.memory_space<vmem>>)
      %dma_wait3A_134 = arith.constant 0 : i32
      %dma_wait3A_135 = arith.constant 0 : i32
      %dma_wait3A_136 = arith.constant 0 : i32
      %dma_wait3A_137 = tpu.memref_slice %arg2[%dma_wait3A_134, %dma_wait3A_135, %dma_wait3A_136] : memref<128x16x16384xf32, #tpu.memory_space<hbm>> -> memref<1x1x16384xf32, #tpu.memory_space<hbm>>
      %dma_wait3A_138 = tpu.memref_squeeze %dma_wait3A_137 : memref<1x1x16384xf32, #tpu.memory_space<hbm>> -> memref<16384xf32, #tpu.memory_space<hbm>>
      %dma_wait3A_139 = arith.constant 0 : i32
      %dma_wait3A_140 = tpu.memref_slice %arg2[%dma_wait3A_134, %dma_wait3A_135, %dma_wait3A_139] : memref<128x16x16384xf32, #tpu.memory_space<hbm>> -> memref<1x1x16384xf32, #tpu.memory_space<hbm>>
      %dma_wait3A_141 = tpu.memref_squeeze %dma_wait3A_140 : memref<1x1x16384xf32, #tpu.memory_space<hbm>> -> memref<16384xf32, #tpu.memory_space<hbm>>
      tpu.wait_dma2 semaphore(%arg16 : memref<!tpu.dma_semaphore, #tpu.memory_space<semaphore_mem>>) src(%dma_wait3A_141 : memref<16384xf32, #tpu.memory_space<hbm>>) dst(%arg11 : memref<16384xf32, #tpu.memory_space<vmem>>)
      %ge3A_142 = arith.constant 2 : i32
      %ge3A_143 = arith.cmpi sge, %add3A_120, %ge3A_142 : i32
      %convert_element_type3A_144 = arith.extui %ge3A_143 : i1 to i32
      %cond3A_145 = arith.constant 0 : i32
      %cond3A_146 = arith.cmpi ne, %convert_element_type3A_144, %cond3A_145 : i32
      scf.if %cond3A_146 {
        %sub3A_157 = arith.constant 2 : i32
        %sub3A_158 = arith.subi %add3A_120, %sub3A_157 : i32
        %dma_wait3A_159 = arith.constant 0 : i32
        %dma_wait3A_160 = tpu.memref_slice %arg4[%select_n3A, %select_n3A_30, %sub3A_158, %dma_wait3A_159] : memref<16x2x32x4096xi32, #tpu.memory_space<hbm>> -> memref<1x1x1x4096xi32, #tpu.memory_space<hbm>>
        %dma_wait3A_161 = tpu.memref_squeeze %dma_wait3A_160 : memref<1x1x1x4096xi32, #tpu.memory_space<hbm>> -> memref<4096xi32, #tpu.memory_space<hbm>>
        %dma_wait3A_162 = arith.constant 0 : i32
        %dma_wait3A_163 = tpu.memref_slice %arg4[%select_n3A, %select_n3A_30, %sub3A_158, %dma_wait3A_162] : memref<16x2x32x4096xi32, #tpu.memory_space<hbm>> -> memref<1x1x1x4096xi32, #tpu.memory_space<hbm>>
        %dma_wait3A_164 = tpu.memref_squeeze %dma_wait3A_163 : memref<1x1x1x4096xi32, #tpu.memory_space<hbm>> -> memref<4096xi32, #tpu.memory_space<hbm>>
        tpu.wait_dma2 semaphore(%arg18 : memref<!tpu.dma_semaphore, #tpu.memory_space<semaphore_mem>>) src(%arg13 : memref<4096xi32, #tpu.memory_space<vmem>>) dst(%dma_wait3A_164 : memref<4096xi32, #tpu.memory_space<hbm>>)
      } else {
      }
      %parallel_loop3A_147 = arith.constant 0 : i32
      %parallel_loop3A_148 = arith.constant 256 : i32
      %parallel_loop3A_149 = arith.constant 1 : i32
      scf.for %parallel_loop3A_157 = %parallel_loop3A_147 to %parallel_loop3A_148 step %parallel_loop3A_149  : i32 {
        %parallel_loop3A_158 = arith.constant 16 : i32
        %parallel_loop3A_159 = arith.muli %parallel_loop3A_157, %parallel_loop3A_158 : i32
        %parallel_loop3A_160 = arith.index_cast %parallel_loop3A_159 : i32 to index
        %parallel_loop3A_161 = tpu.vector_load %arg7[%parallel_loop3A_160] {strides = array<i32>} : memref<4096xi32, #tpu.memory_space<vmem>>, vector<16xi32>,
        %parallel_loop3A_162 = tpu.vector_load_idx %arg10[%parallel_loop3A_161] : memref<16384xf32, #tpu.memory_space<vmem>>[vector<16xi32>], vector<16xf32>,
        %parallel_loop3A_163 = tpu.vector_load_idx %arg11[%parallel_loop3A_161] : memref<16384xf32, #tpu.memory_space<vmem>>[vector<16xi32>], vector<16xf32>,
        %parallel_loop3A_164 = arith.mulf %parallel_loop3A_162, %parallel_loop3A_162 : vector<16xf32>
        %parallel_loop3A_165 = arith.mulf %parallel_loop3A_163, %parallel_loop3A_163 : vector<16xf32>
        %parallel_loop3A_166 = math.exp %parallel_loop3A_164 : vector<16xf32>
        %parallel_loop3A_167 = math.exp %parallel_loop3A_165 : vector<16xf32>
        %parallel_loop3A_168 = arith.mulf %parallel_loop3A_164, %parallel_loop3A_166 : vector<16xf32>
        %parallel_loop3A_169 = arith.mulf %parallel_loop3A_165, %parallel_loop3A_167 : vector<16xf32>
        %parallel_loop3A_170 = tpu.pack_subelements %parallel_loop3A_168, %parallel_loop3A_169 {pack_format = #tpu.pack_format<interleaved>, positions = array<i32: 0, 1>} : vector<16xf32>, vector<16xf32> -> vector<32xbf16>
        %parallel_loop3A_171 = vector.bitcast %parallel_loop3A_170 : vector<32xbf16> to vector<16xi32>
        %parallel_loop3A_172 = arith.index_cast %parallel_loop3A_159 : i32 to index
        %parallel_loop3A_173 = tpu.vector_load %arg13[%parallel_loop3A_172] {strides = array<i32>} : memref<4096xi32, #tpu.memory_space<vmem>>, vector<16xi32>,
        tpu.vector_store %arg13[%parallel_loop3A_172], %parallel_loop3A_171 {strides = array<i32>} : memref<4096xi32, #tpu.memory_space<vmem>>, vector<16xi32>,
        %parallel_loop3A_174 = arith.addf %parallel_loop3A_166, %parallel_loop3A_167 : vector<16xf32>
        %parallel_loop3A_175 = arith.index_cast %parallel_loop3A_159 : i32 to index
        %parallel_loop3A_176 = tpu.vector_load %arg14[%parallel_loop3A_175] {strides = array<i32>} : memref<4096xf32, #tpu.memory_space<vmem>>, vector<16xf32>,
        tpu.vector_store %arg14[%parallel_loop3A_175], %parallel_loop3A_174 {add = true, strides = array<i32>} : memref<4096xf32, #tpu.memory_space<vmem>>, vector<16xf32>,
      } {sc.loop_unroll_factor = 4 : i64, sc.parallel_access}
      %dma_start3A_150 = arith.constant 0 : i32
      %dma_start3A_151 = tpu.memref_slice %arg4[%select_n3A, %select_n3A_30, %add3A_120, %dma_start3A_150] : memref<16x2x32x4096xi32, #tpu.memory_space<hbm>> -> memref<1x1x1x4096xi32, #tpu.memory_space<hbm>>
      %dma_start3A_152 = tpu.memref_squeeze %dma_start3A_151 : memref<1x1x1x4096xi32, #tpu.memory_space<hbm>> -> memref<4096xi32, #tpu.memory_space<hbm>>
      %dma_start3A_153 = arith.constant 0 : i32
      %dma_start3A_154 = tpu.memref_slice %arg4[%select_n3A, %select_n3A_30, %add3A_120, %dma_start3A_153] : memref<16x2x32x4096xi32, #tpu.memory_space<hbm>> -> memref<1x1x1x4096xi32, #tpu.memory_space<hbm>>
      %dma_start3A_155 = tpu.memref_squeeze %dma_start3A_154 : memref<1x1x1x4096xi32, #tpu.memory_space<hbm>> -> memref<4096xi32, #tpu.memory_space<hbm>>
      tpu.enqueue_dma source(%arg13 : memref<4096xi32, #tpu.memory_space<vmem>>) target(%dma_start3A_155 : memref<4096xi32, #tpu.memory_space<hbm>>) target_semaphore(%arg18 : memref<!tpu.dma_semaphore, #tpu.memory_space<semaphore_mem>>)
      %scan3A_156 = arith.constant 0 : i32
      scf.yield %scan3A_156 : i32
    }
    %scan3A_55 = arith.constant 16 : i32
    %dma_wait3A = arith.constant 30 : i32
    %dma_wait3A_56 = arith.constant 0 : i32
    %dma_wait3A_57 = tpu.memref_slice %arg4[%select_n3A, %select_n3A_30, %dma_wait3A, %dma_wait3A_56] : memref<16x2x32x4096xi32, #tpu.memory_space<hbm>> -> memref<1x1x1x4096xi32, #tpu.memory_space<hbm>>
    %dma_wait3A_58 = tpu.memref_squeeze %dma_wait3A_57 : memref<1x1x1x4096xi32, #tpu.memory_space<hbm>> -> memref<4096xi32, #tpu.memory_space<hbm>>
    %dma_wait3A_59 = arith.constant 0 : i32
    %dma_wait3A_60 = tpu.memref_slice %arg4[%select_n3A, %select_n3A_30, %dma_wait3A, %dma_wait3A_59] : memref<16x2x32x4096xi32, #tpu.memory_space<hbm>> -> memref<1x1x1x4096xi32, #tpu.memory_space<hbm>>
    %dma_wait3A_61 = tpu.memref_squeeze %dma_wait3A_60 : memref<1x1x1x4096xi32, #tpu.memory_space<hbm>> -> memref<4096xi32, #tpu.memory_space<hbm>>
    tpu.wait_dma2 semaphore(%arg17 : memref<!tpu.dma_semaphore, #tpu.memory_space<semaphore_mem>>) src(%arg12 : memref<4096xi32, #tpu.memory_space<vmem>>) dst(%dma_wait3A_61 : memref<4096xi32, #tpu.memory_space<hbm>>)
    %dma_wait3A_62 = arith.constant 31 : i32
    %dma_wait3A_63 = arith.constant 0 : i32
    %dma_wait3A_64 = tpu.memref_slice %arg4[%select_n3A, %select_n3A_30, %dma_wait3A_62, %dma_wait3A_63] : memref<16x2x32x4096xi32, #tpu.memory_space<hbm>> -> memref<1x1x1x4096xi32, #tpu.memory_space<hbm>>
    %dma_wait3A_65 = tpu.memref_squeeze %dma_wait3A_64 : memref<1x1x1x4096xi32, #tpu.memory_space<hbm>> -> memref<4096xi32, #tpu.memory_space<hbm>>
    %dma_wait3A_66 = arith.constant 0 : i32
    %dma_wait3A_67 = tpu.memref_slice %arg4[%select_n3A, %select_n3A_30, %dma_wait3A_62, %dma_wait3A_66] : memref<16x2x32x4096xi32, #tpu.memory_space<hbm>> -> memref<1x1x1x4096xi32, #tpu.memory_space<hbm>>
    %dma_wait3A_68 = tpu.memref_squeeze %dma_wait3A_67 : memref<1x1x1x4096xi32, #tpu.memory_space<hbm>> -> memref<4096xi32, #tpu.memory_space<hbm>>
    tpu.wait_dma2 semaphore(%arg18 : memref<!tpu.dma_semaphore, #tpu.memory_space<semaphore_mem>>) src(%arg13 : memref<4096xi32, #tpu.memory_space<vmem>>) dst(%dma_wait3A_68 : memref<4096xi32, #tpu.memory_space<hbm>>)
    %eq3A_69 = arith.constant 0 : i32
    %eq3A_70 = arith.cmpi eq, %select_n3A_30, %eq3A_69 : i32
    %convert_element_type3A = arith.extui %eq3A_70 : i1 to i32
    %cond3A = arith.constant 0 : i32
    %cond3A_71 = arith.cmpi ne, %convert_element_type3A, %cond3A : i32
    scf.if %cond3A_71 {
      "tpu.region"() ({
        %run_scoped3A = tpu.sem_alloc : memref<!tpu.dma_semaphore, #tpu.memory_space<semaphore_mem>>
        %dma_start3A_77 = arith.constant 0 : i32
        %dma_start3A_78 = tpu.memref_slice %arg5[%select_n3A, %dma_start3A_77] : memref<16x4096xf32, #tpu.memory_space<hbm>> -> memref<1x4096xf32, #tpu.memory_space<hbm>>
        %dma_start3A_79 = tpu.memref_squeeze %dma_start3A_78 : memref<1x4096xf32, #tpu.memory_space<hbm>> -> memref<4096xf32, #tpu.memory_space<hbm>>
        %dma_start3A_80 = arith.constant 0 : i32
        %dma_start3A_81 = tpu.memref_slice %arg5[%select_n3A, %dma_start3A_80] : memref<16x4096xf32, #tpu.memory_space<hbm>> -> memref<1x4096xf32, #tpu.memory_space<hbm>>
        %dma_start3A_82 = tpu.memref_squeeze %dma_start3A_81 : memref<1x4096xf32, #tpu.memory_space<hbm>> -> memref<4096xf32, #tpu.memory_space<hbm>>
        tpu.enqueue_dma source(%arg14 : memref<4096xf32, #tpu.memory_space<vmem>>) target(%dma_start3A_82 : memref<4096xf32, #tpu.memory_space<hbm>>) target_semaphore(%run_scoped3A : memref<!tpu.dma_semaphore, #tpu.memory_space<semaphore_mem>>)
        %dma_wait3A_83 = arith.constant 0 : i32
        %dma_wait3A_84 = tpu.memref_slice %arg5[%select_n3A, %dma_wait3A_83] : memref<16x4096xf32, #tpu.memory_space<hbm>> -> memref<1x4096xf32, #tpu.memory_space<hbm>>
        %dma_wait3A_85 = tpu.memref_squeeze %dma_wait3A_84 : memref<1x4096xf32, #tpu.memory_space<hbm>> -> memref<4096xf32, #tpu.memory_space<hbm>>
        %dma_wait3A_86 = arith.constant 0 : i32
        %dma_wait3A_87 = tpu.memref_slice %arg5[%select_n3A, %dma_wait3A_86] : memref<16x4096xf32, #tpu.memory_space<hbm>> -> memref<1x4096xf32, #tpu.memory_space<hbm>>
        %dma_wait3A_88 = tpu.memref_squeeze %dma_wait3A_87 : memref<1x4096xf32, #tpu.memory_space<hbm>> -> memref<4096xf32, #tpu.memory_space<hbm>>
        tpu.wait_dma2 semaphore(%run_scoped3A : memref<!tpu.dma_semaphore, #tpu.memory_space<semaphore_mem>>) src(%arg14 : memref<4096xf32, #tpu.memory_space<vmem>>) dst(%dma_wait3A_88 : memref<4096xf32, #tpu.memory_space<hbm>>)
        tpu.yield
      }) : () -> ()
    } else {
    }
    %eq3A_72 = arith.constant 1 : i32
    %eq3A_73 = arith.cmpi eq, %select_n3A_30, %eq3A_72 : i32
    %convert_element_type3A_74 = arith.extui %eq3A_73 : i1 to i32
    %cond3A_75 = arith.constant 0 : i32
    %cond3A_76 = arith.cmpi ne, %convert_element_type3A_74, %cond3A_75 : i32
    scf.if %cond3A_76 {
      "tpu.region"() ({
        %run_scoped3A = tpu.sem_alloc : memref<!tpu.dma_semaphore, #tpu.memory_space<semaphore_mem>>
        %dma_start3A_77 = arith.constant 0 : i32
        %dma_start3A_78 = tpu.memref_slice %arg6[%select_n3A, %dma_start3A_77] : memref<16x4096xf32, #tpu.memory_space<hbm>> -> memref<1x4096xf32, #tpu.memory_space<hbm>>
        %dma_start3A_79 = tpu.memref_squeeze %dma_start3A_78 : memref<1x4096xf32, #tpu.memory_space<hbm>> -> memref<4096xf32, #tpu.memory_space<hbm>>
        %dma_start3A_80 = arith.constant 0 : i32
        %dma_start3A_81 = tpu.memref_slice %arg6[%select_n3A, %dma_start3A_80] : memref<16x4096xf32, #tpu.memory_space<hbm>> -> memref<1x4096xf32, #tpu.memory_space<hbm>>
        %dma_start3A_82 = tpu.memref_squeeze %dma_start3A_81 : memref<1x4096xf32, #tpu.memory_space<hbm>> -> memref<4096xf32, #tpu.memory_space<hbm>>
        tpu.enqueue_dma source(%arg14 : memref<4096xf32, #tpu.memory_space<vmem>>) target(%dma_start3A_82 : memref<4096xf32, #tpu.memory_space<hbm>>) target_semaphore(%run_scoped3A : memref<!tpu.dma_semaphore, #tpu.memory_space<semaphore_mem>>)
        %dma_wait3A_83 = arith.constant 0 : i32
        %dma_wait3A_84 = tpu.memref_slice %arg6[%select_n3A, %dma_wait3A_83] : memref<16x4096xf32, #tpu.memory_space<hbm>> -> memref<1x4096xf32, #tpu.memory_space<hbm>>
        %dma_wait3A_85 = tpu.memref_squeeze %dma_wait3A_84 : memref<1x4096xf32, #tpu.memory_space<hbm>> -> memref<4096xf32, #tpu.memory_space<hbm>>
        %dma_wait3A_86 = arith.constant 0 : i32
        %dma_wait3A_87 = tpu.memref_slice %arg6[%select_n3A, %dma_wait3A_86] : memref<16x4096xf32, #tpu.memory_space<hbm>> -> memref<1x4096xf32, #tpu.memory_space<hbm>>
        %dma_wait3A_88 = tpu.memref_squeeze %dma_wait3A_87 : memref<1x4096xf32, #tpu.memory_space<hbm>> -> memref<4096xf32, #tpu.memory_space<hbm>>
        tpu.wait_dma2 semaphore(%run_scoped3A : memref<!tpu.dma_semaphore, #tpu.memory_space<semaphore_mem>>) src(%arg14 : memref<4096xf32, #tpu.memory_space<vmem>>) dst(%dma_wait3A_88 : memref<4096xf32, #tpu.memory_space<hbm>>)
        tpu.yield
      }) : () -> ()
    } else {
    }
    return
  }
}

module attributes {stable_mosaic.version = 14 : i64} {
  func.func @_hash_body(%arg0: memref<4096x128xf32, #tpu.memory_space<vmem>>, %arg1: memref<224x128xf32, #tpu.memory_space<vmem>>, %arg2: memref<224x16xf32, #tpu.memory_space<vmem>>, %arg3: memref<16x4096xi32, #tpu.memory_space<vmem>>) attributes {dimension_semantics = [], scalar_prefetch = 0 : i64, scratch_operands = 0 : i64, tpu.core_type = #tpu.core_type<tc>} {
    %get3A = arith.constant 0 : index
    %get3A_0 = arith.constant 0 : index
    %get3A_1 = vector.load %arg0[%get3A, %get3A_0] : memref<4096x128xf32, #tpu.memory_space<vmem>>, vector<4096x128xf32>
    %get3A_2 = arith.constant 0 : index
    %get3A_3 = arith.constant 0 : index
    %get3A_4 = vector.load %arg1[%get3A_2, %get3A_3] : memref<224x128xf32, #tpu.memory_space<vmem>>, vector<224x128xf32>
    %transpose3A = tpu.transpose %get3A_4, [1, 0] : vector<224x128xf32> -> vector<128x224xf32>
    %dot_general3A = arith.constant dense<0.000000e+00> : vector<4096x224xf32>
    %dot_general3A_5 = tpu.matmul %get3A_1, %transpose3A, %dot_general3A {dimension_numbers = #tpu.dot_dimension_numbers<[1], [0], [0], [1], [0, 0, 1, 1], [], []>, transpose_lhs_hint = false} : vector<4096x128xf32>, vector<128x224xf32>, vector<4096x224xf32> -> vector<4096x224xf32>
    %gt3A = arith.constant 0.000000e+00 : f32
    %gt3A_6 = vector.broadcast %gt3A : f32 to vector<4096x224xf32>
    %gt3A_7 = arith.cmpf ogt, %dot_general3A_5, %gt3A_6 : vector<4096x224xf32>
    %convert_element_type3A = arith.extui %gt3A_7 : vector<4096x224xi1> to vector<4096x224xi32>
    %convert_element_type3A_8 = arith.sitofp %convert_element_type3A : vector<4096x224xi32> to vector<4096x224xf32>
    %get3A_9 = arith.constant 0 : index
    %get3A_10 = arith.constant 0 : index
    %get3A_11 = vector.load %arg2[%get3A_9, %get3A_10] : memref<224x16xf32, #tpu.memory_space<vmem>>, vector<224x16xf32>
    %dot_general3A_12 = arith.constant dense<0.000000e+00> : vector<4096x16xf32>
    %dot_general3A_13 = tpu.matmul %convert_element_type3A_8, %get3A_11, %dot_general3A_12 {dimension_numbers = #tpu.dot_dimension_numbers<[1], [0], [0], [1], [0, 0, 1, 1], [], []>, transpose_lhs_hint = false} : vector<4096x224xf32>, vector<224x16xf32>, vector<4096x16xf32> -> vector<4096x16xf32>
    %transpose3A_14 = tpu.transpose %dot_general3A_13, [1, 0] : vector<4096x16xf32> -> vector<16x4096xf32>
    %convert_element_type3A_15 = arith.fptosi %transpose3A_14 : vector<16x4096xf32> to vector<16x4096xi32>
    %swap3A = arith.constant 0 : index
    %swap3A_16 = arith.constant 0 : index
    %swap3A_17 = vector.load %arg3[%swap3A, %swap3A_16] : memref<16x4096xi32, #tpu.memory_space<vmem>>, vector<16x4096xi32>
    tpu.vector_store %arg3[%swap3A, %swap3A_16], %convert_element_type3A_15 {strides = array<i32>} : memref<16x4096xi32, #tpu.memory_space<vmem>>, vector<16x4096xi32>,
    return
  }
}

module attributes {stable_mosaic.version = 14 : i64} {
  func.func @_combine_body(%arg0: i32, %arg1: memref<16x2x32x1024xi32, #tpu.memory_space<vmem>>, %arg2: memref<16x1024xf32, #tpu.memory_space<vmem>>, %arg3: memref<16x1024xf32, #tpu.memory_space<vmem>>, %arg4: memref<1024x128xf32, #tpu.memory_space<vmem>>) attributes {dimension_semantics = [#tpu.dimension_semantics<arbitrary>], iteration_bounds = array<i64: 4>, scalar_prefetch = 0 : i64, scratch_operands = 0 : i64, tpu.core_type = #tpu.core_type<tc>, window_params = [{transform_indices = @transform_0, window_bounds = array<i64: 16, 2, 32, 1024>}, {transform_indices = @transform_1, window_bounds = array<i64: 16, 1024>}, {transform_indices = @transform_2, window_bounds = array<i64: 16, 1024>}, {transform_indices = @transform_3, window_bounds = array<i64: 1024, 128>}]} {
    %get3A = arith.constant 0 : index
    %get3A_0 = arith.constant 0 : index
    %get3A_1 = vector.load %arg2[%get3A, %get3A_0] : memref<16x1024xf32, #tpu.memory_space<vmem>>, vector<16x1024xf32>
    %get3A_2 = arith.constant 0 : index
    %get3A_3 = arith.constant 0 : index
    %get3A_4 = vector.load %arg3[%get3A_2, %get3A_3] : memref<16x1024xf32, #tpu.memory_space<vmem>>, vector<16x1024xf32>
    %add3A = arith.addf %get3A_1, %get3A_4 : vector<16x1024xf32>
    %div3A = arith.constant 1.000000e+00 : f32
    %div3A_5 = vector.broadcast %div3A : f32 to vector<16x1024xf32>
    %div3A_6 = arith.divf %div3A_5, %add3A : vector<16x1024xf32>
    %broadcast_in_dim3A = vector.shape_cast %div3A_6 : vector<16x1024xf32> to vector<16x1x1x1024xf32>
    %get3A_7 = arith.constant 0 : index
    %get3A_8 = arith.constant 0 : index
    %get3A_9 = arith.constant 0 : index
    %get3A_10 = arith.constant 0 : index
    %get3A_11 = vector.load %arg1[%get3A_7, %get3A_8, %get3A_9, %get3A_10] : memref<16x2x32x1024xi32, #tpu.memory_space<vmem>>, vector<16x2x32x1024xi32>
    %shift_left3A = arith.constant 16 : i32
    %shift_left3A_12 = vector.broadcast %shift_left3A : i32 to vector<16x2x32x1024xi32>
    %shift_left3A_13 = arith.shli %get3A_11, %shift_left3A_12 : vector<16x2x32x1024xi32>
    %bitcast_convert_type3A = tpu.bitcast %shift_left3A_13 : vector<16x2x32x1024xi32> -> vector<16x2x32x1024xf32>
    %and3A = arith.constant -65536 : i32
    %and3A_14 = vector.broadcast %and3A : i32 to vector<16x2x32x1024xi32>
    %and3A_15 = arith.andi %get3A_11, %and3A_14 : vector<16x2x32x1024xi32>
    %bitcast_convert_type3A_16 = tpu.bitcast %and3A_15 : vector<16x2x32x1024xi32> -> vector<16x2x32x1024xf32>
    %mul3A = vector.broadcast %broadcast_in_dim3A : vector<16x1x1x1024xf32> to vector<16x2x32x1024xf32>
    %mul3A_17 = arith.mulf %bitcast_convert_type3A, %mul3A : vector<16x2x32x1024xf32>
    %reduce_sum3A = arith.constant dense<0.000000e+00> : vector<2x32x1024xf32>
    %reduce_sum3A_18 = vector.multi_reduction <add>, %mul3A_17, %reduce_sum3A [0] : vector<16x2x32x1024xf32> to vector<2x32x1024xf32>
    %mul3A_19 = vector.broadcast %broadcast_in_dim3A : vector<16x1x1x1024xf32> to vector<16x2x32x1024xf32>
    %mul3A_20 = arith.mulf %bitcast_convert_type3A_16, %mul3A_19 : vector<16x2x32x1024xf32>
    %reduce_sum3A_21 = arith.constant dense<0.000000e+00> : vector<2x32x1024xf32>
    %reduce_sum3A_22 = vector.multi_reduction <add>, %mul3A_20, %reduce_sum3A_21 [0] : vector<16x2x32x1024xf32> to vector<2x32x1024xf32>
    %stack3A = vector.shape_cast %reduce_sum3A_18 : vector<2x32x1024xf32> to vector<2x1x32x1024xf32>
    %stack3A_23 = vector.shape_cast %reduce_sum3A_22 : vector<2x32x1024xf32> to vector<2x1x32x1024xf32>
    %stack3A_24 = tpu.concatenate %stack3A, %stack3A_23 in 1 : vector<2x1x32x1024xf32>, vector<2x1x32x1024xf32> -> vector<2x2x32x1024xf32>
    %reshape3A = vector.shape_cast %stack3A_24 : vector<2x2x32x1024xf32> to vector<128x1024xf32>
    %transpose3A = tpu.transpose %reshape3A, [1, 0] : vector<128x1024xf32> -> vector<1024x128xf32>
    %mul3A_25 = arith.constant 6.250000e-02 : f32
    %mul3A_26 = vector.broadcast %mul3A_25 : f32 to vector<1024x128xf32>
    %mul3A_27 = arith.mulf %transpose3A, %mul3A_26 : vector<1024x128xf32>
    %swap3A = arith.constant 0 : index
    %swap3A_28 = arith.constant 0 : index
    %swap3A_29 = vector.load %arg4[%swap3A, %swap3A_28] : memref<1024x128xf32, #tpu.memory_space<vmem>>, vector<1024x128xf32>
    tpu.vector_store %arg4[%swap3A, %swap3A_28], %mul3A_27 {strides = array<i32>} : memref<1024x128xf32, #tpu.memory_space<vmem>>, vector<1024x128xf32>,
    return
  }
  func.func @transform_0(%arg0: i32) -> (i32, i32, i32, i32) {
    %c0_i32 = arith.constant 0 : i32
    %c0_i32_0 = arith.constant 0 : i32
    %c0_i32_1 = arith.constant 0 : i32
    %c0_i32_2 = arith.constant 0 : i32
    return %c0_i32, %c0_i32_0, %c0_i32_1, %arg0 : i32, i32, i32, i32
  }
  func.func @transform_1(%arg0: i32) -> (i32, i32) {
    %c0_i32 = arith.constant 0 : i32
    %c0_i32_0 = arith.constant 0 : i32
    return %c0_i32, %arg0 : i32, i32
  }
  func.func @transform_2(%arg0: i32) -> (i32, i32) {
    %c0_i32 = arith.constant 0 : i32
    %c0_i32_0 = arith.constant 0 : i32
    return %c0_i32, %arg0 : i32, i32
  }
  func.func @transform_3(%arg0: i32) -> (i32, i32) {
    %c0_i32 = arith.constant 0 : i32
    %c0_i32_0 = arith.constant 0 : i32
    return %arg0, %c0_i32 : i32, i32
  }
}

</mosaic_0001>

<sc_bundles>
// kernel: kernel.5.cloned.1.call-start
scs
__scs_entry_jumppad:
0x0: {  	(pc) =	sbr.rel $0x88, $3  }
0x1: {  	(tag) =	ssettag $0x0;
	lr =	simm.s32 $0x1  }
0x2: {  	[smem:$0x3F9E] =	sst lr;
	_ =	strace $0xD0000000  }
0x3: {  	_ = 	snop  }
0x4: {  	_ = 	snop  }
0x5: {  	_ = 	snop  }
0x6: {  	_ = 	snop  }
0x7: {  	_ = 	snop  }
__scs_overlays_trampoline_lowered:
0x8: {  	[smem:$0x3FAD] =	sst s0  }
0x9: {  	[smem:$0x3FAE] =	sst s1  }
0xa: {  	[smem:$0x3FAF] =	sst s2  }
0xb: {  	[smem:$0x3FB0] =	sst s3  }
0xc: {  	[smem:$0x3FB1] =	sst s4  }
0xd: {  	[smem:$0x3FB2] =	sst s5  }
0xe: {  	[smem:$0x3FB3] =	sst s6  }
0xf: {  	[smem:$0x3FB4] =	sst s7  }
0x10: {  	[smem:$0x3FB5] =	sst s8  }
0x11: {  	[smem:$0x3FB6] =	sst s9;
	s0 =	simm.s32 @!p0 $0x0  }
0x12: {  	s1 =	sld [smem:$0x3F9C];
	s0 =	simm.s32 @p0 $0x1  }
0x13: {  	[smem:$0x3FB7] =	sst s0;
	s0 =	simm.s32 @!p1 $0x0  }
0x14: {  	s2 =	sld [smem:$0x3F9B];
	s0 =	simm.s32 @p1 $0x1  }
0x15: {  	[smem:$0x3FB8] =	sst s0;
	s0 =	simm.s32 @!p2 $0x0  }
0x16: {  	s3 =	sld [smem:$0x3FDB];
	s0 =	simm.s32 @p2 $0x1  }
0x17: {  	s4 =	simm.s32 $0x1BF5;
	[smem:$0x3FBA] =	sst s0  }
0x18: {  	s0 =	sld [smem:$0x3F9D];
	_ =	swait.ge [sflag:s4], $0x0  }
0x19: {  	s7 =	sld [smem:$0x3F9E]  }
0x1a: {  	s8 =	sadd.s32 $0xFFFFE003, lr  }
0x1b: {  	s9 =	sadd.s32 $0xFFFFFEF7, lr;
	s5 =	simm.s32 $0xFFFFFFFF;
	p2 =	slt.u32 s8, $0xFFFFF086  }
0x1c: {  	p1 =	slt.u32 s9, $0xF7A;
	s5 =	simm.s32 @!p2 $0x0  }
0x1d: {  	s5 =	simm.s32 @p1 $0x1;
	p0 =	seq.s32 s7, s2  }
0x1e: {  	s7 =	smul.u32 @!p0 $0xF7A, s2;
	p2 =	seq.s32 @!p0 s5, $0x0  }
0x1f: {  	s9 =	smul.u32 $0xF7A, s1;
	s8 =	simm.s32 @!p0 $0x1BF5;
	p2 =	por !p2, p0  }
0x20: {  	[sflag:s8] =	ssyncset.s32 @!p0 $0xFFFFF086;
	s6 =	sadd.s32 @!p0 s3, s7;
	s7 =	simm.s32 @!p0 $0x108  }
0x21: {  	s3 =	sadd.s32 s3, s9;
	s6 =	sadd.s32 @!p0 $0x88, s6;
	s7 =	simm.s32 @p2 $0x1082  }
0x22: {  	[simem:s7], [sflag:s8] =	dma.local @!p0 [hbm:s6], $0xF7A  }
0x23: {  	s9 =	sor.u32 $0xD0000000, s2;
	s6 =	simm.s32 $0x108;
	_ =	swait.ge @!p0 [sflag:s8], $0x0  }
0x24: {  	s3 =	sadd.s32 $0x88, s3;
	s6 =	simm.s32 @!p1 $0x1082;
	[sflag:s4] =	ssyncset.s32 $0xFFFFF086  }
0x25: {  	[simem:s6], [sflag:s4] =	dma.local [hbm:s3], $0xF7A  }
0x26: {  	[smem:$0x3F9E] =	sst s1;
	(tag) =	ssettag s2;
	_ =	strace s9  }
0x27: {  	s1 =	sld [smem:$0x3FAE]  }
0x28: {  	s2 =	sld [smem:$0x3FAF]  }
0x29: {  	s4 =	sld [smem:$0x3FB1]  }
0x2a: {  	p0 =	seq.s32 s5, $0x0;
	s5 =	sld [smem:$0x3FB2]  }
0x2b: {  	s6 =	sld [smem:$0x3FB3]  }
0x2c: {  	s7 =	sld [smem:$0x3FB4]  }
0x2d: {  	s3 =	simm.s32 $0x108;
	s8 =	sld [smem:$0x3FB5]  }
0x2e: {  	s3 =	simm.s32 @!p0 $0x1082;
	s9 =	sld [smem:$0x3FB6]  }
0x2f: {  	lr =	sadd.s32 s0, s3;
	s0 =	sld [smem:$0x3FAD]  }
0x30: {  	s3 =	sld [smem:$0x3FB0]  }
0x31: {  	[smem:$0x3FB9] =	sst s10  }
0x32: {  	s10 =	sld [smem:$0x3FB7];
	_ =	sdelay $0x3  }
0x33: {  	p0 =	seq.s32 s10, $0x1;
	s10 =	sld [smem:$0x3FB9];
	_ =	sdelay $0x3  }
0x34: {  	[smem:$0x3FB9] =	sst s10  }
0x35: {  	s10 =	sld [smem:$0x3FB8];
	_ =	sdelay $0x3  }
0x36: {  	p1 =	seq.s32 s10, $0x1;
	s10 =	sld [smem:$0x3FB9];
	_ =	sdelay $0x3  }
0x37: {  	[smem:$0x3FB9] =	sst s10  }
0x38: {  	s10 =	sld [smem:$0x3FBA]  }
0x39: {  	_ = 	snop;
	(pc) =	sbr.ind lr, $3  }
0x3a: {  	_ = 	snop  }
0x3b: {  	_ = 	snop  }
0x3c: {  	p2 =	seq.s32 s10, $0x1;
	s10 =	sld [smem:$0x3FB9]  }
0x3d: {  	_ =	shalt  }
0x3e: {  	_ =	shalt  }
0x3f: {  	_ =	shalt  }
0x40: {  	_ =	shalt  }
0x41: {  	_ =	shalt  }
0x42: {  	_ =	shalt  }
0x43: {  	_ =	shalt  }
0x44: {  	_ =	shalt  }
0x45: {  	_ =	shalt  }
0x46: {  	_ =	shalt  }
0x47: {  	_ =	shalt  }
0x48: {  	_ =	shalt  }
0x49: {  	_ =	shalt  }
0x4a: {  	_ =	shalt  }
0x4b: {  	_ =	shalt  }
0x4c: {  	_ =	shalt  }
0x4d: {  	_ =	shalt  }
0x4e: {  	_ =	shalt  }
0x4f: {  	_ =	shalt  }
0x50: {  	_ =	shalt  }
0x51: {  	_ =	shalt  }
0x52: {  	_ =	shalt  }
0x53: {  	_ =	shalt  }
0x54: {  	_ =	shalt  }
0x55: {  	_ =	shalt  }
0x56: {  	_ =	shalt  }
0x57: {  	_ =	shalt  }
0x58: {  	_ =	shalt  }
0x59: {  	_ =	shalt  }
0x5a: {  	_ =	shalt  }
0x5b: {  	_ =	shalt  }
0x5c: {  	_ =	shalt  }
0x5d: {  	_ =	shalt  }
0x5e: {  	_ =	shalt  }
0x5f: {  	_ =	shalt  }
0x60: {  	_ =	shalt  }
0x61: {  	_ =	shalt  }
0x62: {  	_ =	shalt  }
0x63: {  	_ =	shalt  }
0x64: {  	_ =	shalt  }
0x65: {  	_ =	shalt  }
0x66: {  	_ =	shalt  }
0x67: {  	_ =	shalt  }
0x68: {  	_ =	shalt  }
0x69: {  	_ =	shalt  }
0x6a: {  	_ =	shalt  }
0x6b: {  	_ =	shalt  }
0x6c: {  	_ =	shalt  }
0x6d: {  	_ =	shalt  }
0x6e: {  	_ =	shalt  }
0x6f: {  	_ =	shalt  }
0x70: {  	_ =	shalt  }
0x71: {  	_ =	shalt  }
0x72: {  	_ =	shalt  }
0x73: {  	_ =	shalt  }
0x74: {  	_ =	shalt  }
0x75: {  	_ =	shalt  }
0x76: {  	_ =	shalt  }
0x77: {  	_ =	shalt  }
0x78: {  	_ =	shalt  }
0x79: {  	_ =	shalt  }
0x7a: {  	_ =	shalt  }
0x7b: {  	_ =	shalt  }
0x7c: {  	_ =	shalt  }
0x7d: {  	_ =	shalt  }
0x7e: {  	_ =	shalt  }
0x7f: {  	_ =	shalt  }
0x80: {  	_ =	shalt  }
0x81: {  	_ =	shalt  }
0x82: {  	_ =	shalt  }
0x83: {  	_ =	shalt  }
0x84: {  	_ =	shalt  }
0x85: {  	_ =	shalt  }
0x86: {  	_ =	shalt  }
0x87: {  	_ =	shalt  }
.Lfunc_end0:
.L_simem_size_0:
called_computation_lowered:
.L_overlay_start_0:
0x88: {  	s2 =	sld [smem:$0x3FD9]  }
0x89: {  	s3 =	sld [smem:$0x3FFE];
	_ =	sdelay $0x1  }
0x8a: {  	s1 =	srdreg.scid  }
0x8b: {  	s0 =	sand.u32 $0x1, s1  }
0x8c: {  	s17 =	sshll.u32 s0, $0xA;
	s2 =	sadd.s32 s3, s2  }
0x8d: {  	s2 =	sadd.s32 s2, s17  }
0x8e: {  	[smem:$0x3FC5] =	sst s2  }
0x8f: {  	_ = 	snop  }
0x90: {  	s2 =	sld [smem:$0x3FC8]  }
0x91: {  	s18 =	sld [smem:$0x3FD0];
	(tm) =	ssettm $0x1  }
0x92: {  	s4 =	sld [smem:$0x3FFB];
	_ =	sdelay $0x3  }
0x93: {  	_ =	strace s4  }
0x94: {  	s4 =	sld [smem:$0x3FFC];
	_ =	sdelay $0x3  }
0x95: {  	_ =	strace s4  }
0x96: {  	s4 =	sld [smem:$0x3FFD];
	_ =	sdelay $0x3  }
0x97: {  	_ =	strace s4  }
0x98: {  	_ =	strace $0x8FFFFFFF  }
0x99: {  	s19 =	sld [smem:$0x3FDB];
	_ =	sdelay $0x1  }
0x9a: {  	s5 =	simm.s32 $_scs_section_size  }
0x9b: {  	s6 =	simm.s32 $_size__tile_overlayer_lowered;
	s7 =	simm.s32 $_tile_overlayer_lowered  }
0x9c: {  	s22 =	simm.s32 $0x1BFF;
	s21 =	sshll.u32 s7, $0x1;
	s4 =	sadd.s32 s5, s19  }
0x9d: {  	s8 =	simm.s32 $0x0;
	s20 =	sshll.u32 s6, $0x1;
	s6 =	sadd.s32 s21, s4  }
0x9e: {  	[timem:s8], [sflag:s22] =	dma.local [hbm:s6], s20  }
0x9f: {  	_ =	swait.ge [sflag:s22], s20  }
0xa0: {  	s5 =	ssub.s32 $0x0, s20;
	[sflag:s22] =	ssyncset.done $0x0  }
0xa1: {  	[sflag:s22] =	ssyncadd.s32 s5;
	_ =	sdelay $0x1  }
0xa2: {  	s23 =	simm.s32 $0x1B8B  }
0xa3: {  	_ =	swait.ge [sflag:s23], $0x1  }
0xa4: {  	[sflag:s23] =	ssyncset.done $0x0  }
0xa5: {  	s25 =	simm.s32 $0x1B8E;
	s24 =	sld [smem:$0x3FFE];
	[sflag:s23] =	ssyncadd.s32 $0xFFFFFFFF  }
0xa6: {  	s26 =	simm.s32 $execute0_lowered;
	[smem:$0x3FD2] =	sst s25  }
0xa7: {  	s6 =	sshll.u32 s26, $0x1;
	_ =	strace $0x80000046;
	[dreg:$0x1] =	wrdreg $0xFFFFFFFF  }
0xa8: {  	s28 =	simm.s32 $_size_execute0_lowered;
	s4 =	sadd.s32 s4, s6;
	[dreg:$0x0] =	wrdreg $0x0  }
0xa9: {  	s6 =	sshll.u32 s28, $0x1;
	[dreg:$0x2] =	wrdreg s4  }
0xaa: {  	[dreg:$0x3] =	wrdreg s6  }
0xab: {  	[dreg:$0x4] =	wrdreg $0xC0  }
0xac: {  	_ =	task [dreg:s8], $0x5FFFF  }
0xad: {  	[dreg:$0x1] =	wrdreg $0xFFFFFFFF  }
0xae: {  	[dreg:$0x0] =	wrdreg $0x60  }
0xaf: {  	[dreg:$0x2] =	wrdreg s2  }
0xb0: {  	[dreg:$0x3] =	wrdreg s18  }
0xb1: {  	[dreg:$0x4] =	wrdreg s24  }
0xb2: {  	[dreg:$0x5] =	wrdreg $0x9  }
0xb3: {  	_ =	task.clear_ibuf [dreg:s8], $0x6FFFF;
	_ =	strace $0x90000046  }
0xb4: {  	s29 =	simm.s32 $0x9;
	_ =	strace $0x80000048  }
0xb5: {  	_ =	swait.ge [sflag:s29], $0x1  }
0xb6: {  	[sflag:s29] =	ssyncadd.s32 $0xFFFFFFFF  }
0xb7: {  	_ =	strace $0x90000048  }
0xb8: {  	_ =	sfence  }
0xb9: {  	s30 =	sld [smem:$0x0];
	_ =	sdelay $0x2  }
0xba: {  	s31 =	sshll.u32 s1, $0xD;
	s1 =	sshrl.u32 s1, $0x2  }
0xbb: {  	s3 =	sand.u32 $0x4000, s31;
	s1 =	sadd.s32 s1, s30  }
0xbc: {  	s0 =	sor.u32 s3, s0;
	s1 =	sshll.u32 s1, $0x11  }
0xbd: {  	s0 =	sor.u32 s1, s0  }
0xbe: {  	s0 =	sadd.s32 $0x8F2B, s0  }
0xbf: {  	[sflag:s0] =	ssyncadd.remote.s32 $0x1  }
0xc0: {  	_ =	sfence.sel $0xFFFF  }
0xc1: {  	[dreg:$0x0] =	wrdreg $0xFFFFFFFF;
	(pc) =	sbr.abs _section_cstart, $3  }
0xc2: {  	[dreg:$0x1] =	wrdreg $0xFFFFFFFF  }
0xc3: {  	_ =	task.clear_ibuf [dreg:s8], $0x2FFFF;
	_ =	strace $0x9FFFFFFF  }
0xc4: {  	(tm) =	ssettm $0x7FFFFFFF  }
0xc5: {  	_ =	shalt  }
tec
execute0_lowered:
.L_overlay_start_1:
0x0: {  	(tag) =	ssettag $0x1  }
0x1: {  	s0 =	srdreg.scid;
	s1 =	rddreg [dreg:$0x0]  }
0x2: {  	s4 =	stileid.u32;
	s2 =	rddreg [dreg:$0x1]  }
0x3: {  	s6 =	rddreg [dreg:$0x2];
	s5 =	simm.s32 $0x0;
	s17 =	simm.s32 $0x80  }
0x4: {  	s28 =	simm.s32 $0x3;
	s29 =	simm.s32 $0x4;
	s31 =	simm.s32 $0x0  }
0x5: {  	s0 =	sand.u32 $0x1, s0;
	[smem:$0x7FF] =	sst s5;
	s5 =	simm.s32 $0x1  }
0x6: {  	s3 =	sor.u32 s0, s4;
	p0 =	seq.s32 s0, $0x1;
	_ =	strace $0x80000047  }
0x7: {  	s10 =	sshll.u32 s0, $0x18;
	s11 =	ssub.s32 $0x2, s0;
	p1 =	seq.s32 s3, $0x0  }
0x8: {  	s24 =	sshll.u32 s0, $0x11;
	s18 =	sshrl.u32 s11, $0x1;
	p1 =	por !p1, !p0  }
0x9: {  	s3 =	simm.s32 $0x1;
	s15 =	ssub.s32 s11, s18;
	p1 =	por !p1, !p1  }
0xa: {  	s18 =	simm.s32 $0x400;
	s30 =	smax.u32 s15, $0x1;
	s3 =	simm.s32 @!p1 $0x0  }
0xb: {  	[dreg:$0x9] =	wrdreg s30;
	p1 =	seq.s32 @!p0 s0, $0x0;
	s3 =	ssub.s32 s4, s3  }
0xc: {  	s4 =	sadd.s32 $0x1600, s6;
	p1 =	por p0, !p1;
	s8 =	sshll.u32 s3, $0x7  }
0xd: {  	s7 =	sshrl.u32 s3, $0x3;
	s23 =	sshll.u32 s3, $0x12;
	s8 =	sand.u32 $0x380, s8  }
0xe: {  	s9 =	sshll.u32 s7, $0xF;
	s7 =	sshll.u32 s7, $0x11;
	s13 =	sor.u32 s24, s23  }
0xf: {  	s23 =	simm.s32 $0xD000;
	s9 =	sor.u32 s8, s9;
	s10 =	sadd.s32 s10, s7  }
0x10: {  	s24 =	simm.s32 $0x11000;
	s9 =	sshrl.u32 s9, $0x3;
	s10 =	sor.u32 s8, s10  }
0x11: {  	s14 =	sadd.s32 s9, s6;
	s6 =	sshll.u32 s0, $0x6;
	s19 =	sadd.s32 $0x800000, s10  }
0x12: {  	s2 =	sadd.s32 s2, s9;
	s20 =	sshrl.u32 s10, $0x3;
	s10 =	sor.u32 s8, s7  }
0x13: {  	[dreg:$0x4] =	wrdreg s2;
	s21 =	sshrl.u32 s19, $0x3;
	s2 =	sadd.s32 s1, s20  }
0x14: {  	s11 =	sor.u32 $0x2, s6;
	s12 =	sadd.s32 $0x800000, s10;
	s25 =	sadd.s32 $0x81600, s14  }
0x15: {  	s26 =	sadd.s32 $0x83600, s14;
	s19 =	simm.s32 $0x5;
	[dreg:$0x5] =	wrdreg s2  }
0x16: {  	s20 =	simm.s32 $0x1000;
	s22 =	sadd.s32 s1, s21;
	[dreg:$0x7] =	wrdreg s25  }
0x17: {  	[dreg:$0x8] =	wrdreg s26;
	s21 =	simm.s32 $0x5000;
	s25 =	simm.s32 $0x2  }
0x18: {  	v0 =	vimm.f32 $0.0e+00;
	s26 =	simm.s32 $0x12000;
	[dreg:$0x6] =	wrdreg s22;
	s22 =	simm.s32 $0x9000  }
.LBB2_1:
0x19: {  	s0 =	simm.s32 $0x0;
	s2 =	rddreg [dreg:$0x4]  }
0x1a: {  	[tilespmem:s0], [sflag:$0x5] =	stream.strided.gather [hbm4b:s2+s17], $0x1000, s18, s17, $0x38;
	[tilespmem:$0x14000] =	vst v63  }
0x1b: {  	_ =	swait.ge [sflag:s19], $0x1000  }
0x1c: {  	[sflag:s19] =	ssyncset.done $0x0  }
0x1d: {  	s0 =	simm.s32 $0x40;
	s2 =	simm.s32 $0x0;
	[sflag:s19] =	ssyncadd.s32 $0xFFFFF000  }
.LBB2_2:
0x1e: {  	p2 =	sne.s32 s0, $0x3FC0;
	[tilespmem:s2+$0x13000] =	vst v0;
	s2 =	smov.u32 s0;
	s0 =	sadd.s32 $0x40, s0  }
.Ltmp0:
0x1f: {  	(pc) =	sbr.rel @p2 .LBB2_2-.Ltmp0, $2  }
0x20: {  	_ =	sdelay $0x2  }
0x21: {  	s2 =	sshra.s32 s2, $0x2  }
0x22: {  	[tilespmem:s2+$0x13000] =	vst v0  }
0x23: {  	s0 =	rddreg [dreg:$0x5]  }
0x24: {  	[tilespmem:s20], [sflag:$0x1] =	stream.strided.gather [hbm4b:s0+s17], $0x4000, s18, s17, $0x38;
	[tilespmem:$0x14000] =	vst v63  }
0x25: {  	s2 =	simm.s32 $0x0;
	s30 =	rddreg [dreg:$0x6]  }
0x26: {  	[tilespmem:s21], [sflag:$0x1] =	stream.strided.gather [hbm4b:s30+s17], $0x4000, s18, s17, $0x38;
	[tilespmem:$0x14000] =	vst v63  }
.LBB2_4:
0x27: {  	s0 =	sshllo.u32 s2, $0x1  }
0x28: {  	s3 =	sor.u32 s6, s0  }
0x29: {  	s3 =	sshll.u32 s3, $0x12  }
0x2a: {  	s7 =	sadd.s32 s10, s3  }
0x2b: {  	s3 =	sadd.s32 s3, s12;
	s7 =	sshrl.u32 s7, $0x3  }
0x2c: {  	s3 =	sshrl.u32 s3, $0x3;
	s7 =	sadd.s32 s1, s7  }
0x2d: {  	[tilespmem:s22], [sflag:$0x2] =	stream.strided.gather [hbm4b:s7+s17], $0x4000, s18, s17, $0x38;
	[tilespmem:$0x14000] =	vst v63  }
0x2e: {  	s3 =	sadd.s32 s1, s3  }
0x2f: {  	[tilespmem:s23], [sflag:$0x2] =	stream.strided.gather [hbm4b:s3+s17], $0x4000, s18, s17, $0x38;
	[tilespmem:$0x14000] =	vst v63  }
0x30: {  	_ =	swait.ge [sflag:s5], $0x4000  }
0x31: {  	[sflag:s5] =	ssyncset.done $0x0  }
0x32: {  	[sflag:s5] =	ssyncadd.s32 $0xFFFFC000  }
0x33: {  	_ =	swait.ge [sflag:s5], $0x4000  }
0x34: {  	p2 =	seq.s32 s2, $0x0;
	[sflag:s5] =	ssyncset.done $0x0  }
0x35: {  	s3 =	simm.s32 @!p2 $0x3;
	[sflag:s5] =	ssyncadd.s32 $0xFFFFC000  }
0x36: {  	_ =	swait.ge @!p2 [sflag:s3], $0x1000  }
0x37: {  	[sflag:s3] =	ssyncset.done @!p2 $0x0  }
0x38: {  	s9 =	simm.s32 $0x20;
	[sflag:s3] =	ssyncadd.s32 @!p2 $0xFFFFF000  }
0x39: {  	v1 =	vld [tilespmem:s9+$0xFFFFFFE0]  }
0x3a: {  	v2 =	vld [tilespmem:s9+$0x10];
	_ =	sdelay $0x1  }
0x3b: {  	v3 =	vld [tilespmem:s9+$0xFFFFFFF0];
	_ =	sdelay $0x1  }
0x3c: {  	s14 =	simm.s32 $0x60;
	v5 =	vld [tilespmem:s9+$0x0]  }
0x3d: {  	v6 =	vld [tilespmem:s14+$0xFFFFFFE0]  }
0x3e: {  	v9 =	vld [tilespmem:s14+$0x10]  }
0x3f: {  	v4 =	vld.idx.msk [tilespmem:v1+s20+$0x0], $0xffff  }
0x40: {  	v7 =	vld.idx.msk [tilespmem:v2+s20+$0x0], $0xffff  }
0x41: {  	v1 =	vld.idx.msk [tilespmem:v1+s21+$0x0], $0xffff  }
0x42: {  	v8 =	vld.idx.msk [tilespmem:v3+s21+$0x0], $0xffff  }
0x43: {  	v2 =	vld.idx.msk [tilespmem:v2+s21+$0x0], $0xffff  }
0x44: {  	v3 =	vld.idx.msk [tilespmem:v3+s20+$0x0], $0xffff;
	v4 =	vmul.f32 v4, v4  }
0x45: {  	v11 =	vld.idx.msk [tilespmem:v5+s21+$0x0], $0xffff  }
0x46: {  	v5 =	vld.idx.msk [tilespmem:v5+s20+$0x0], $0xffff;
	v10 =	vmul.f32 $1.442695020e+00, v4  }
0x47: {  	v16 =	vld.idx.msk [tilespmem:v6+s20+$0x0], $0xffff;
	v1 =	vmul.f32 v1, v1;
	v12 =	vmul.f32 v8, v8  }
0x48: {  	v8 =	vld [tilespmem:s14+$0xFFFFFFF0];
	v14 =	vmul.f32 v2, v2;
	(erf) = vpow2.f32 v10  }
0x49: {  	v10 =	vmul.f32 v7, v7;
	v7 =	vmul.f32 $1.442695020e+00, v1  }
0x4a: {  	v3 =	vmul.f32 v3, v3;
	v15 =	vmul.f32 v11, v11;
	v11 =	vld.idx.msk [tilespmem:v9+s20+$0x0], $0xffff  }
0x4b: {  	v22 =	vmul.f32 v5, v5;
	(erf) = vpow2.f32 v7  }
0x4c: {  	s15 =	simm.s32 $0xA0;
	v13 =	vld [tilespmem:s14+$0x0];
	v16 =	vmul.f32 v16, v16;
	v2 =	vmul.f32 $1.442695020e+00, v10  }
0x4d: {  	v18 =	vld [tilespmem:s15+$0xFFFFFFE0];
	v17 =	vmul.f32 $1.442695020e+00, v3;
	v7 =	vmul.f32 $1.442695020e+00, v12  }
0x4e: {  	v6 =	vld.idx.msk [tilespmem:v6+s21+$0x0], $0xffff;
	(erf) = vpow2.f32 v2;
	v2 =	vmul.f32 $1.442695020e+00, v14  }
0x4f: {  	v9 =	vld.idx.msk [tilespmem:v9+s21+$0x0], $0xffff;
	v5 =	vmul.f32 v11, v11;
	(erf) = vpow2.f32 v7  }
0x50: {  	v11 =	vmul.f32 $1.442695020e+00, v16;
	(erf) = vpow2.f32 v2;
	v2 =	vld.idx.msk [tilespmem:v8+s21+$0x0], $0xffff  }
0x51: {  	v27 =	vmul.f32 $1.442695020e+00, v5;
	v7 =	vmul.f32 $1.442695020e+00, v15;
	v8 =	vld.idx.msk [tilespmem:v8+s20+$0x0], $0xffff  }
0x52: {  	v20 =	vpop (erf);
	(erf) = vpow2.f32 v17;
	v17 =	vmul.f32 $1.442695020e+00, v22  }
0x53: {  	v19 =	vld [tilespmem:s15+$0x10];
	v4 =	vmul.f32 v20, v4;
	(erf) = vpow2.f32 v7  }
0x54: {  	v25 =	vld [tilespmem:s15+$0xFFFFFFF0];
	v7 =	vmul.f32 v6, v6;
	v23 =	vpop (erf);
	(erf) = vpow2.f32 v17  }
0x55: {  	v30 =	vld.idx.msk [tilespmem:v13+s20+$0x0], $0xffff;
	v6 =	vmul.f32 v2, v2;
	v2 =	vmul.f32 v9, v9  }
0x56: {  	v17 =	vld.idx.msk [tilespmem:v13+s21+$0x0], $0xffff;
	v8 =	vmul.f32 v8, v8;
	v21 =	vmul.f32 $1.442695020e+00, v7  }
0x57: {  	v60 =	vld.idx.msk [tilespmem:v18+s20+$0x0], $0xffff;
	v1 =	vmul.f32 v23, v1;
	(erf) = vpow2.f32 v11  }
0x58: {  	v61 =	vld.idx.msk [tilespmem:v18+s21+$0x0], $0xffff;
	v24 =	vpop (erf);
	v31 =	vmul.f32 $1.442695020e+00, v8;
	v18 =	vmul.f32 $1.442695020e+00, v2  }
0x59: {  	v11 =	vld [tilespmem:s15+$0x0];
	v10 =	vmul.f32 v24, v10;
	v26 =	vpop (erf);
	(erf) = vpow2.f32 v21  }
0x5a: {  	v21 =	vmul.f32 $1.442695020e+00, v6;
	v28 =	vpop (erf);
	v12 =	vmul.f32 v26, v12  }
0x5b: {  	s14 =	simm.s32 $0xE0;
	v62 =	vadd.f32 v23, v20;
	v13 =	vmul.f32 v17, v17;
	v14 =	vmul.f32 v28, v14;
	v29 =	vpop (erf)  }
0x5c: {  	s16 =	simm.s32 $0x11020;
	v9 =	vld [tilespmem:s14+$0xFFFFFFE0];
	v1 =	vpack.i.f32.bf16 v1, v4;
	(erf) = vpow2.f32 v27;
	v3 =	vmul.f32 v29, v3  }
0x5d: {  	[tilespmem:s16+$0xFFFFFFE0] =	vst v1;
	v1 =	vmul.f32 v60, v60;
	v17 =	vld.idx.msk [tilespmem:v19+s20+$0x0], $0xffff;
	v34 =	vmul.f32 $1.442695020e+00, v13;
	v10 =	vpack.i.f32.bf16 v14, v10;
	v32 =	vpop (erf)  }
0x5e: {  	s8 =	simm.s32 $0x13030;
	v19 =	vld.idx.msk [tilespmem:v19+s21+$0x0], $0xffff;
	[tilespmem:s16+$0x10] =	vst v10;
	v10 =	vmul.f32 v30, v30;
	v3 =	vpack.i.f32.bf16 v12, v3;
	v12 =	vpop (erf);
	(erf) = vpow2.f32 v21  }
0x5f: {  	[tilespmem:s8+$0xFFFFFFD0] =	vst.add.f32.msk $0xffff, v62;
	v33 =	vmul.f32 v32, v15;
	(erf) = vpow2.f32 v18  }
0x60: {  	v21 =	vld.idx.msk [tilespmem:v25+s21+$0x0], $0xffff;
	v14 =	vmul.f32 v12, v22;
	(erf) = vpow2.f32 v31  }
0x61: {  	v23 =	vmul.f32 $1.442695020e+00, v1;
	v18 =	vld.idx.msk [tilespmem:v11+s21+$0x0], $0xffff;
	(erf) = vpow2.f32 v34  }
0x62: {  	v26 =	vadd.f32 v26, v29;
	v63 =	vmul.f32 $1.442695020e+00, v10;
	[tilespmem:s16+$0xFFFFFFF0] =	vst v3;
	v22 =	vld.idx.msk [tilespmem:v25+s20+$0x0], $0xffff;
	v3 =	vpop (erf);
	v14 =	vpack.i.f32.bf16 v33, v14  }
0x63: {  	s30 =	simm.s32 $0x13070;
	s7 =	simm.s32 $0x13070;
	s3 =	sshll.u32 s2, $0x1;
	v15 =	vld [tilespmem:s14+$0x10];
	v4 =	vmul.f32 v3, v16;
	[tilespmem:s16+$0x0] =	vst v14;
	v14 =	vadd.f32 v28, v24;
	v16 =	vmul.f32 v61, v61  }
0x64: {  	s9 =	simm.s32 $0x11060;
	s15 =	simm.s32 $0x11060;
	v20 =	vmul.f32 v17, v17;
	v17 =	vadd.f32 v32, v12;
	[tilespmem:s8+$0xFFFFFFE0] =	vst.add.f32.msk $0xffff, v26;
	s16 =	simm.s32 $0xC;
	v12 =	vpop (erf);
	(erf) = vpow2.f32 v63  }
.LBB2_5:
0x65: {  	s16 =	sadd.s32 $0x4, s16;
	v28 =	vmul.f32 $1.442695020e+00, v16;
	v25 =	vmul.f32 v12, v7;
	s30 =	sadd.s32 $0x40, s30;
	s15 =	sadd.s32 $0x40, s15;
	v26 =	vpop (erf);
	[tilespmem:s8+$0x0] =	vst.add.f32.msk $0xffff, v14;
	v7 =	vmov v16  }
0x66: {  	v16 =	vmul.f32 v21, v21;
	p3 =	slt.u32 s16, $0xFC;
	(erf) = vpow2.f32 v23;
	[tilespmem:s8+$0xFFFFFFF0] =	vst.add.f32.msk $0xffff, v17;
	s8 =	smov.u32 s7;
	s7 =	smov.u32 s30  }
0x67: {  	v17 =	vmul.f32 v19, v19;
	v21 =	vmul.f32 v26, v5;
	v5 =	vmov v20;
	v23 =	vld [tilespmem:s14+$0xFFFFFFF0];
	v19 =	vpop (erf)  }
0x68: {  	v27 =	vmul.f32 $1.442695020e+00, v5;
	v20 =	vld [tilespmem:s14+$0x0];
	s14 =	sadd.s32 $0x40, s14;
	(erf) = vpow2.f32 v28;
	v24 =	vpop (erf)  }
0x69: {  	v22 =	vmul.f32 v22, v22;
	v29 =	vmul.f32 $1.442695020e+00, v16;
	v28 =	vld [tilespmem:s14+$0xFFFFFFE0];
	v14 =	vadd.f32 v24, v26;
	v26 =	vpop (erf)  }
0x6a: {  	v31 =	vmul.f32 v18, v18;
	v30 =	vld.idx.msk [tilespmem:v11+s20+$0x0], $0xffff;
	v11 =	vmul.f32 v19, v6;
	v32 =	vadd.f32 v19, v26;
	v18 =	vpop (erf)  }
0x6b: {  	v34 =	vmul.f32 $1.442695020e+00, v22;
	v19 =	vmul.f32 v26, v8;
	v6 =	vmovc v16;
	v8 =	vmov v22;
	v33 =	vld.idx.msk [tilespmem:v15+s20+$0x0], $0xffff  }
0x6c: {  	v26 =	vadd.f32 v12, v3;
	v16 =	vld.idx.msk [tilespmem:v9+s20+$0x0], $0xffff;
	(erf) = vpow2.f32 v27;
	v27 =	vmul.f32 v24, v2;
	v2 =	vmovc v17  }
0x6d: {  	v13 =	vmul.f32 v18, v13;
	v17 =	vpack.i.f32.bf16 v11, v19;
	v24 =	vld.idx.msk [tilespmem:v9+s21+$0x0], $0xffff;
	v35 =	vmul.f32 $1.442695020e+00, v2;
	v12 =	vpop (erf)  }
0x6e: {  	v22 =	vmul.f32 $1.442695020e+00, v31;
	v19 =	vld.idx.msk [tilespmem:v15+s21+$0x0], $0xffff;
	(erf) = vpow2.f32 v29;
	[tilespmem:s9+$0xFFFFFFF0] =	vst v17;
	v15 =	vpack.i.f32.bf16 v27, v21;
	v11 =	vmovc v20  }
0x6f: {  	v27 =	vmul.f32 v12, v10;
	v17 =	vadd.f32 v18, v12;
	v21 =	vld.idx.msk [tilespmem:v23+s21+$0x0], $0xffff;
	v3 =	vpop (erf);
	(erf) = vpow2.f32 v35;
	[tilespmem:s9+$0x10] =	vst v15  }
.Ltmp1:
0x70: {  	v9 =	vmovc v28;
	v10 =	vmul.f32 v30, v30;
	v18 =	vld.idx.msk [tilespmem:v20+s21+$0x0], $0xffff;
	(erf) = vpow2.f32 v34;
	v20 =	vpack.i.f32.bf16 v25, v4;
	(pc) =	sbr.rel @p3 .LBB2_5-.Ltmp1, $4  }
0x71: {  	v4 =	vmul.f32 v3, v1;
	v15 =	vld [tilespmem:s14+$0x10];
	v12 =	vpop (erf);
	(erf) = vpow2.f32 v22;
	[tilespmem:s9+$0xFFFFFFE0] =	vst v20;
	v20 =	vpack.i.f32.bf16 v13, v27  }
0x72: {  	v1 =	vmul.f32 v16, v16;
	v25 =	vmul.f32 $1.442695020e+00, v10;
	v13 =	vmov v31;
	v22 =	vld.idx.msk [tilespmem:v23+s20+$0x0], $0xffff;
	[tilespmem:s9+$0x0] =	vst v20;
	s9 =	smov.u32 s15  }
0x73: {  	v16 =	vmul.f32 v24, v24;
	v20 =	vmul.f32 v33, v33;
	[tilespmem:s8+$0xFFFFFFE0] =	vst.add.f32.msk $0xffff, v32  }
0x74: {  	v23 =	vmul.f32 $1.442695020e+00, v1;
	(erf) = vpow2.f32 v25;
	[tilespmem:s8+$0xFFFFFFD0] =	vst.add.f32.msk $0xffff, v26  }
0x75: {  	_ = 	snop  }
0x76: {  	v24 =	vmul.f32 $1.442695020e+00, v16;
	v7 =	vmul.f32 v12, v7  }
0x77: {  	v21 =	vmul.f32 v21, v21;
	v19 =	vmul.f32 v19, v19;
	v26 =	vld [tilespmem:s14+$0xFFFFFFF0]  }
0x78: {  	v25 =	vpop (erf);
	v63 =	vld [tilespmem:s14+$0x0];
	v18 =	vmul.f32 v18, v18;
	(erf) = vpow2.f32 v23  }
0x79: {  	v11 =	vld.idx.msk [tilespmem:v11+s20+$0x0], $0xffff;
	v5 =	vmul.f32 v25, v5;
	v23 =	vmul.f32 $1.442695020e+00, v20  }
0x7a: {  	v32 =	vld.idx.msk [tilespmem:v9+s20+$0x0], $0xffff;
	v27 =	vpop (erf);
	(erf) = vpow2.f32 v24;
	v22 =	vmul.f32 v22, v22  }
0x7b: {  	v9 =	vld.idx.msk [tilespmem:v9+s21+$0x0], $0xffff;
	v29 =	vmul.f32 $1.442695020e+00, v21;
	v33 =	vmul.f32 $1.442695020e+00, v19  }
0x7c: {  	v41 =	vld.idx.msk [tilespmem:v15+s20+$0x0], $0xffff;
	v34 =	vmul.f32 $1.442695020e+00, v18;
	v28 =	vpop (erf);
	v6 =	vmul.f32 v27, v6  }
0x7d: {  	v15 =	vld.idx.msk [tilespmem:v15+s21+$0x0], $0xffff;
	(erf) = vpow2.f32 v23;
	v30 =	vpop (erf);
	v31 =	vmul.f32 $1.442695020e+00, v22  }
0x7e: {  	v2 =	vmul.f32 v28, v2;
	v8 =	vmul.f32 v30, v8  }
0x7f: {  	v23 =	vpop (erf);
	(erf) = vpow2.f32 v29;
	v11 =	vmul.f32 v11, v11  }
0x80: {  	v42 =	vmul.f32 v32, v32;
	v9 =	vmul.f32 v9, v9  }
0x81: {  	v13 =	vmul.f32 v23, v13;
	(erf) = vpow2.f32 v33  }
0x82: {  	v33 =	vmul.f32 v41, v41;
	v15 =	vmul.f32 v15, v15;
	v35 =	vld.idx.msk [tilespmem:v26+s21+$0x0], $0xffff  }
0x83: {  	v43 =	vmul.f32 $1.442695020e+00, v11;
	v44 =	vmul.f32 $1.442695020e+00, v42;
	v26 =	vld.idx.msk [tilespmem:v26+s20+$0x0], $0xffff  }
0x84: {  	v45 =	vmul.f32 $1.442695020e+00, v9;
	v40 =	vpop (erf);
	(erf) = vpow2.f32 v31;
	v37 =	vld.idx.msk [tilespmem:v63+s21+$0x0], $0xffff  }
0x85: {  	v48 =	vmul.f32 $1.442695020e+00, v33;
	(erf) = vpow2.f32 v34  }
0x86: {  	v2 =	vpack.i.f32.bf16 v2, v5;
	v5 =	vmul.f32 $1.442695020e+00, v15;
	(erf) = vpow2.f32 v43  }
0x87: {  	[tilespmem:s8+$0xFFFFFFF0] =	vst.add.f32.msk $0xffff, v17;
	v10 =	vmul.f32 v40, v10;
	v36 =	vpop (erf);
	(erf) = vpow2.f32 v44  }
0x88: {  	v6 =	vpack.i.f32.bf16 v6, v8;
	v24 =	vld.idx.msk [tilespmem:v63+s20+$0x0], $0xffff;
	v35 =	vmul.f32 v35, v35;
	v26 =	vmul.f32 v26, v26  }
0x89: {  	[tilespmem:s9+$0x10] =	vst v2;
	v2 =	vpack.i.f32.bf16 v7, v4;
	v46 =	vpop (erf);
	(erf) = vpow2.f32 v45;
	v17 =	vmul.f32 v37, v37  }
0x8a: {  	[tilespmem:s9+$0xFFFFFFE0] =	vst v2;
	v2 =	vpack.i.f32.bf16 v13, v10;
	v47 =	vpop (erf);
	v8 =	vmul.f32 $1.442695020e+00, v35;
	v4 =	vmul.f32 $1.442695020e+00, v26  }
0x8b: {  	[tilespmem:s8+$0x0] =	vst.add.f32.msk $0xffff, v14;
	v3 =	vadd.f32 v12, v3;
	v20 =	vmul.f32 v47, v20;
	(erf) = vpow2.f32 v48  }
0x8c: {  	v14 =	vadd.f32 v27, v30;
	[tilespmem:s9+$0xFFFFFFF0] =	vst v6;
	v6 =	vpop (erf);
	v7 =	vmul.f32 $1.442695020e+00, v17;
	(erf) = vpow2.f32 v8  }
0x8d: {  	[tilespmem:s9+$0x0] =	vst v2;
	v2 =	vpop (erf);
	v8 =	vadd.f32 v28, v25;
	(erf) = vpow2.f32 v5;
	v5 =	vmul.f32 v24, v24  }
0x8e: {  	v10 =	vmul.f32 v6, v21;
	(erf) = vpow2.f32 v4;
	v4 =	vpop (erf)  }
0x8f: {  	[tilespmem:s7+$0xFFFFFFE0] =	vst.add.f32.msk $0xffff, v14;
	v12 =	vmul.f32 $1.442695020e+00, v5;
	v14 =	vmul.f32 v4, v22  }
0x90: {  	[tilespmem:s7+$0xFFFFFFD0] =	vst.add.f32.msk $0xffff, v3;
	v13 =	vadd.f32 v23, v40;
	v3 =	vpop (erf);
	(erf) = vpow2.f32 v7;
	v7 =	vmul.f32 v2, v19  }
0x91: {  	s16 =	sadd.s32 $0x40, s15;
	v1 =	vmul.f32 v36, v1;
	v16 =	vmul.f32 v46, v16;
	[tilespmem:s7+$0x0] =	vst.add.f32.msk $0xffff, v8;
	v8 =	vpop (erf);
	v10 =	vpack.i.f32.bf16 v10, v14  }
0x92: {  	v14 =	vmul.f32 v3, v18;
	v7 =	vpack.i.f32.bf16 v7, v20;
	[tilespmem:s16+$0xFFFFFFF0] =	vst v10;
	v10 =	vmul.f32 v8, v11  }
0x93: {  	[tilespmem:s7+$0xFFFFFFF0] =	vst.add.f32.msk $0xffff, v13;
	v1 =	vpack.i.f32.bf16 v16, v1;
	(erf) = vpow2.f32 v12;
	v12 =	vpop (erf)  }
0x94: {  	[tilespmem:s16+$0xFFFFFFE0] =	vst v1;
	v4 =	vadd.f32 v6, v4;
	v2 =	vadd.f32 v2, v47;
	v13 =	vpop (erf);
	v1 =	vpack.i.f32.bf16 v14, v10  }
0x95: {  	s9 =	sadd.s32 $0x40, s30;
	[tilespmem:s16+$0x10] =	vst v7;
	v7 =	vpop (erf)  }
0x96: {  	[tilespmem:s9+$0x0] =	vst.add.f32.msk $0xffff, v2;
	v6 =	vpop (erf)  }
0x97: {  	v10 =	vadd.f32 v46, v36;
	[tilespmem:s16+$0x0] =	vst v1;
	v2 =	vmul.f32 v7, v33;
	v1 =	vpop (erf)  }
0x98: {  	v3 =	vadd.f32 v3, v8;
	[tilespmem:s9+$0xFFFFFFE0] =	vst.add.f32.msk $0xffff, v4;
	v8 =	vmul.f32 v6, v35;
	v4 =	vpop (erf);
	v14 =	vmul.f32 v1, v15  }
0x99: {  	[tilespmem:s9+$0xFFFFFFD0] =	vst.add.f32.msk $0xffff, v10;
	v10 =	vmul.f32 v4, v26  }
0x9a: {  	s8 =	sadd.s32 $0x40, s16;
	v9 =	vmul.f32 v13, v9;
	[tilespmem:s9+$0xFFFFFFF0] =	vst.add.f32.msk $0xffff, v3;
	v15 =	vmul.f32 v12, v42;
	v2 =	vpack.i.f32.bf16 v14, v2  }
0x9b: {  	v11 =	vpop (erf);
	v3 =	vpack.i.f32.bf16 v8, v10;
	[tilespmem:s8+$0x10] =	vst v2  }
0x9c: {  	v1 =	vadd.f32 v1, v7;
	v8 =	vpop (erf);
	v2 =	vpack.i.f32.bf16 v9, v15;
	[tilespmem:s8+$0xFFFFFFF0] =	vst v3  }
0x9d: {  	s7 =	sadd.s32 $0x40, s9;
	v4 =	vadd.f32 v6, v4;
	v10 =	vmul.f32 v11, v17;
	v3 =	vmul.f32 v8, v5;
	[tilespmem:s8+$0xFFFFFFE0] =	vst v2  }
0x9e: {  	s14 =	sshll.u32 s2, $0x8;
	[tilespmem:s7+$0x0] =	vst.add.f32.msk $0xffff, v1  }
0x9f: {  	p3 =	sgt.u32 s0, $0x1E;
	s15 =	sand.u32 $0x300, s14;
	s16 =	sshll.u32 s2, $0xD;
	[tilespmem:s7+$0xFFFFFFE0] =	vst.add.f32.msk $0xffff, v4;
	v2 =	vpack.i.f32.bf16 v10, v3;
	v3 =	vadd.f32 v13, v12  }
0xa0: {  	s3 =	sadd.s32 @!p3 s11, s3;
	s30 =	sand.u32 $0x18000, s16;
	[tilespmem:s8+$0x0] =	vst v2;
	s8 =	sor.u32 s13, s15;
	v2 =	vadd.f32 v11, v8  }
0xa1: {  	s14 =	simm.s32 @!p3 $0x1000;
	s3 =	sshll.u32 @!p3 s3, $0x12;
	[tilespmem:s7+$0xFFFFFFD0] =	vst.add.f32.msk $0xffff, v3;
	s8 =	sor.u32 s30, s8  }
0xa2: {  	s9 =	simm.s32 @!p3 $0x400;
	s8 =	sshrl.u32 s8, $0x3;
	[tilespmem:s7+$0xFFFFFFF0] =	vst.add.f32.msk $0xffff, v2;
	s7 =	sadd.s32 @!p3 s10, s3  }
0xa3: {  	s3 =	sadd.s32 @!p3 s3, s12;
	s8 =	sadd.s32 s4, s8;
	s7 =	sshrl.u32 @!p3 s7, $0x3  }
0xa4: {  	[hbm4b:s8+s17] =	stream.strided.scatter [tilespmem:s24], [sflag:$0x3], $0x1000, s18, s17, $0x38;
	[tilespmem:$0x14000] =	vst v63  }
0xa5: {  	s3 =	sshrl.u32 @!p3 s3, $0x3;
	s7 =	sadd.s32 @!p3 s1, s7;
	s8 =	simm.s32 @!p3 $0x80  }
0xa6: {  	[tilespmem:s14], [sflag:$0x1] =	stream.strided.gather @!p3 [hbm4b:s7+s8], $0x4000, s9, s8, $0x38;
	[tilespmem:$0x14000] =	vst v63  }
0xa7: {  	s3 =	sadd.s32 @!p3 s1, s3;
	s7 =	simm.s32 @!p3 $0x5000  }
0xa8: {  	[tilespmem:s7], [sflag:$0x1] =	stream.strided.gather @!p3 [hbm4b:s3+s8], $0x4000, s9, s8, $0x38;
	[tilespmem:$0x14000] =	vst v63  }
0xa9: {  	_ =	swait.ge [sflag:s25], $0x4000  }
0xaa: {  	[sflag:s25] =	ssyncset.done $0x0  }
0xab: {  	[sflag:s25] =	ssyncadd.s32 $0xFFFFC000  }
0xac: {  	_ =	swait.ge [sflag:s25], $0x4000  }
0xad: {  	[sflag:s25] =	ssyncset.done $0x0  }
0xae: {  	s3 =	simm.s32 @!p2 $0x4;
	[sflag:s25] =	ssyncadd.s32 $0xFFFFC000  }
0xaf: {  	_ =	swait.ge @!p2 [sflag:s3], $0x1000  }
0xb0: {  	[sflag:s3] =	ssyncset.done @!p2 $0x0  }
0xb1: {  	s9 =	simm.s32 $0x20;
	[sflag:s3] =	ssyncadd.s32 @!p2 $0xFFFFF000  }
0xb2: {  	v1 =	vld [tilespmem:s9+$0xFFFFFFE0]  }
0xb3: {  	v2 =	vld [tilespmem:s9+$0x10];
	_ =	sdelay $0x1  }
0xb4: {  	v3 =	vld [tilespmem:s9+$0xFFFFFFF0];
	_ =	sdelay $0x1  }
0xb5: {  	s14 =	simm.s32 $0x60;
	v5 =	vld [tilespmem:s9+$0x0]  }
0xb6: {  	v6 =	vld [tilespmem:s14+$0xFFFFFFE0]  }
0xb7: {  	v9 =	vld [tilespmem:s14+$0x10]  }
0xb8: {  	v4 =	vld.idx.msk [tilespmem:v1+s22+$0x0], $0xffff  }
0xb9: {  	v7 =	vld.idx.msk [tilespmem:v2+s22+$0x0], $0xffff  }
0xba: {  	v1 =	vld.idx.msk [tilespmem:v1+s23+$0x0], $0xffff  }
0xbb: {  	v8 =	vld.idx.msk [tilespmem:v3+s23+$0x0], $0xffff  }
0xbc: {  	v2 =	vld.idx.msk [tilespmem:v2+s23+$0x0], $0xffff  }
0xbd: {  	v3 =	vld.idx.msk [tilespmem:v3+s22+$0x0], $0xffff  }
0xbe: {  	v11 =	vld.idx.msk [tilespmem:v5+s23+$0x0], $0xffff;
	_ =	sdelay $0x1  }
0xbf: {  	v5 =	vld.idx.msk [tilespmem:v5+s22+$0x0], $0xffff;
	v4 =	vmul.f32 v4, v4  }
0xc0: {  	v16 =	vld.idx.msk [tilespmem:v6+s22+$0x0], $0xffff;
	v1 =	vmul.f32 v1, v1;
	v12 =	vmul.f32 v8, v8  }
0xc1: {  	v8 =	vld [tilespmem:s14+$0xFFFFFFF0];
	v14 =	vmul.f32 v2, v2;
	v10 =	vmul.f32 $1.442695020e+00, v4  }
0xc2: {  	v3 =	vmul.f32 v3, v3;
	v15 =	vmul.f32 v11, v11  }
0xc3: {  	(erf) = vpow2.f32 v10;
	v10 =	vmul.f32 v7, v7  }
0xc4: {  	v11 =	vld.idx.msk [tilespmem:v9+s22+$0x0], $0xffff;
	v22 =	vmul.f32 v5, v5;
	v7 =	vmul.f32 $1.442695020e+00, v1  }
0xc5: {  	v16 =	vmul.f32 v16, v16;
	v2 =	vmul.f32 $1.442695020e+00, v10  }
0xc6: {  	v13 =	vld [tilespmem:s14+$0x0];
	(erf) = vpow2.f32 v7;
	v7 =	vmul.f32 $1.442695020e+00, v12  }
0xc7: {  	s15 =	simm.s32 $0xA0;
	v6 =	vld.idx.msk [tilespmem:v6+s23+$0x0], $0xffff;
	(erf) = vpow2.f32 v2;
	v2 =	vmul.f32 $1.442695020e+00, v14  }
0xc8: {  	v18 =	vld [tilespmem:s15+$0xFFFFFFE0];
	v17 =	vmul.f32 $1.442695020e+00, v3;
	(erf) = vpow2.f32 v7  }
0xc9: {  	v5 =	vmul.f32 v11, v11;
	(erf) = vpow2.f32 v2;
	v2 =	vld.idx.msk [tilespmem:v8+s23+$0x0], $0xffff  }
0xca: {  	v11 =	vmul.f32 $1.442695020e+00, v16;
	v7 =	vmul.f32 $1.442695020e+00, v15;
	v8 =	vld.idx.msk [tilespmem:v8+s22+$0x0], $0xffff  }
0xcb: {  	v9 =	vld.idx.msk [tilespmem:v9+s23+$0x0], $0xffff;
	(erf) = vpow2.f32 v17;
	v17 =	vmul.f32 $1.442695020e+00, v22  }
0xcc: {  	(erf) = vpow2.f32 v7;
	v7 =	vmul.f32 v6, v6  }
0xcd: {  	v52 =	vmul.f32 $1.442695020e+00, v5;
	v20 =	vpop (erf);
	(erf) = vpow2.f32 v17  }
0xce: {  	v19 =	vld [tilespmem:s15+$0x10];
	v4 =	vmul.f32 v20, v4;
	v21 =	vmul.f32 $1.442695020e+00, v7  }
0xcf: {  	v17 =	vld.idx.msk [tilespmem:v13+s23+$0x0], $0xffff;
	(erf) = vpow2.f32 v11;
	v8 =	vmul.f32 v8, v8  }
0xd0: {  	v58 =	vld.idx.msk [tilespmem:v18+s22+$0x0], $0xffff;
	v23 =	vpop (erf);
	v6 =	vmul.f32 v2, v2;
	v2 =	vmul.f32 v9, v9  }
0xd1: {  	v50 =	vld [tilespmem:s15+$0xFFFFFFF0];
	v1 =	vmul.f32 v23, v1;
	v49 =	vpop (erf);
	v56 =	vmul.f32 $1.442695020e+00, v8  }
0xd2: {  	v59 =	vld.idx.msk [tilespmem:v18+s23+$0x0], $0xffff;
	v18 =	vmul.f32 $1.442695020e+00, v2;
	v10 =	vmul.f32 v49, v10  }
0xd3: {  	v11 =	vld [tilespmem:s15+$0x0];
	v51 =	vpop (erf);
	(erf) = vpow2.f32 v21;
	v21 =	vmul.f32 $1.442695020e+00, v6  }
0xd4: {  	s16 =	simm.s32 $0x12020;
	v55 =	vld.idx.msk [tilespmem:v13+s22+$0x0], $0xffff;
	v13 =	vmul.f32 v17, v17;
	v1 =	vpack.i.f32.bf16 v1, v4;
	v53 =	vpop (erf);
	v12 =	vmul.f32 v51, v12  }
0xd5: {  	s14 =	simm.s32 $0xE0;
	[tilespmem:s16+$0xFFFFFFE0] =	vst v1;
	v1 =	vmul.f32 v58, v58;
	v54 =	vpop (erf);
	(erf) = vpow2.f32 v52  }
0xd6: {  	v9 =	vld [tilespmem:s14+$0xFFFFFFE0];
	v62 =	vadd.f32 v23, v20;
	v14 =	vmul.f32 v53, v14;
	v3 =	vmul.f32 v54, v3;
	v57 =	vpop (erf)  }
0xd7: {  	s8 =	simm.s32 $0x13030;
	v17 =	vld.idx.msk [tilespmem:v19+s22+$0x0], $0xffff;
	v61 =	vmul.f32 $1.442695020e+00, v13;
	v60 =	vmul.f32 v57, v15  }
0xd8: {  	[tilespmem:s8+$0xFFFFFFD0] =	vst.add.f32.msk $0xffff, v62;
	v10 =	vpack.i.f32.bf16 v14, v10;
	v3 =	vpack.i.f32.bf16 v12, v3;
	v12 =	vpop (erf);
	(erf) = vpow2.f32 v21  }
0xd9: {  	v19 =	vld.idx.msk [tilespmem:v19+s23+$0x0], $0xffff;
	[tilespmem:s16+$0x10] =	vst v10;
	v10 =	vmul.f32 v55, v55;
	(erf) = vpow2.f32 v18  }
0xda: {  	v21 =	vld.idx.msk [tilespmem:v50+s23+$0x0], $0xffff;
	v14 =	vmul.f32 v12, v22;
	(erf) = vpow2.f32 v56  }
0xdb: {  	v26 =	vadd.f32 v51, v54;
	v18 =	vld.idx.msk [tilespmem:v11+s23+$0x0], $0xffff;
	(erf) = vpow2.f32 v61  }
0xdc: {  	v23 =	vmul.f32 $1.442695020e+00, v1;
	[tilespmem:s16+$0xFFFFFFF0] =	vst v3;
	v22 =	vld.idx.msk [tilespmem:v50+s22+$0x0], $0xffff;
	v63 =	vmul.f32 $1.442695020e+00, v10;
	v3 =	vpop (erf);
	v14 =	vpack.i.f32.bf16 v60, v14  }
0xdd: {  	s7 =	simm.s32 $0x13070;
	s3 =	simm.s32 $0x13070;
	v15 =	vld [tilespmem:s14+$0x10];
	v4 =	vmul.f32 v3, v16;
	[tilespmem:s16+$0x0] =	vst v14;
	v14 =	vadd.f32 v53, v49;
	v16 =	vmul.f32 v59, v59  }
0xde: {  	s9 =	simm.s32 $0x12060;
	s15 =	simm.s32 $0x12060;
	v20 =	vmul.f32 v17, v17;
	v17 =	vadd.f32 v57, v12;
	[tilespmem:s8+$0xFFFFFFE0] =	vst.add.f32.msk $0xffff, v26;
	s16 =	simm.s32 $0xC;
	v12 =	vpop (erf);
	(erf) = vpow2.f32 v63  }
.LBB2_7:
0xdf: {  	s16 =	sadd.s32 $0x4, s16;
	v28 =	vmul.f32 $1.442695020e+00, v16;
	v25 =	vmul.f32 v12, v7;
	s3 =	sadd.s32 $0x40, s3;
	s15 =	sadd.s32 $0x40, s15;
	v26 =	vpop (erf);
	[tilespmem:s8+$0x0] =	vst.add.f32.msk $0xffff, v14;
	v7 =	vmov v16  }
0xe0: {  	v16 =	vmul.f32 v21, v21;
	p2 =	slt.u32 s16, $0xFC;
	(erf) = vpow2.f32 v23;
	[tilespmem:s8+$0xFFFFFFF0] =	vst.add.f32.msk $0xffff, v17;
	s8 =	smov.u32 s7;
	s7 =	smov.u32 s3  }
0xe1: {  	v17 =	vmul.f32 v19, v19;
	v21 =	vmul.f32 v26, v5;
	v5 =	vmov v20;
	v23 =	vld [tilespmem:s14+$0xFFFFFFF0];
	v19 =	vpop (erf)  }
0xe2: {  	v27 =	vmul.f32 $1.442695020e+00, v5;
	v20 =	vld [tilespmem:s14+$0x0];
	s14 =	sadd.s32 $0x40, s14;
	(erf) = vpow2.f32 v28;
	v24 =	vpop (erf)  }
0xe3: {  	v22 =	vmul.f32 v22, v22;
	v29 =	vmul.f32 $1.442695020e+00, v16;
	v28 =	vld [tilespmem:s14+$0xFFFFFFE0];
	v14 =	vadd.f32 v24, v26;
	v26 =	vpop (erf)  }
0xe4: {  	v31 =	vmul.f32 v18, v18;
	v30 =	vld.idx.msk [tilespmem:v11+s22+$0x0], $0xffff;
	v11 =	vmul.f32 v19, v6;
	v32 =	vadd.f32 v19, v26;
	v18 =	vpop (erf)  }
0xe5: {  	v34 =	vmul.f32 $1.442695020e+00, v22;
	v19 =	vmul.f32 v26, v8;
	v6 =	vmovc v16;
	v8 =	vmov v22;
	v33 =	vld.idx.msk [tilespmem:v15+s22+$0x0], $0xffff  }
0xe6: {  	v26 =	vadd.f32 v12, v3;
	v16 =	vld.idx.msk [tilespmem:v9+s22+$0x0], $0xffff;
	(erf) = vpow2.f32 v27;
	v27 =	vmul.f32 v24, v2;
	v2 =	vmovc v17  }
0xe7: {  	v13 =	vmul.f32 v18, v13;
	v17 =	vpack.i.f32.bf16 v11, v19;
	v24 =	vld.idx.msk [tilespmem:v9+s23+$0x0], $0xffff;
	v35 =	vmul.f32 $1.442695020e+00, v2;
	v12 =	vpop (erf)  }
0xe8: {  	v22 =	vmul.f32 $1.442695020e+00, v31;
	v19 =	vld.idx.msk [tilespmem:v15+s23+$0x0], $0xffff;
	(erf) = vpow2.f32 v29;
	[tilespmem:s9+$0xFFFFFFF0] =	vst v17;
	v15 =	vpack.i.f32.bf16 v27, v21;
	v11 =	vmovc v20  }
0xe9: {  	v27 =	vmul.f32 v12, v10;
	v17 =	vadd.f32 v18, v12;
	v21 =	vld.idx.msk [tilespmem:v23+s23+$0x0], $0xffff;
	v3 =	vpop (erf);
	(erf) = vpow2.f32 v35;
	[tilespmem:s9+$0x10] =	vst v15  }
.Ltmp2:
0xea: {  	v9 =	vmovc v28;
	v10 =	vmul.f32 v30, v30;
	v18 =	vld.idx.msk [tilespmem:v20+s23+$0x0], $0xffff;
	(erf) = vpow2.f32 v34;
	v20 =	vpack.i.f32.bf16 v25, v4;
	(pc) =	sbr.rel @p2 .LBB2_7-.Ltmp2, $4  }
0xeb: {  	v4 =	vmul.f32 v3, v1;
	v15 =	vld [tilespmem:s14+$0x10];
	v12 =	vpop (erf);
	(erf) = vpow2.f32 v22;
	[tilespmem:s9+$0xFFFFFFE0] =	vst v20;
	v20 =	vpack.i.f32.bf16 v13, v27  }
0xec: {  	v1 =	vmul.f32 v16, v16;
	v25 =	vmul.f32 $1.442695020e+00, v10;
	v13 =	vmov v31;
	v22 =	vld.idx.msk [tilespmem:v23+s22+$0x0], $0xffff;
	[tilespmem:s9+$0x0] =	vst v20;
	s9 =	smov.u32 s15  }
0xed: {  	v16 =	vmul.f32 v24, v24;
	v20 =	vmul.f32 v33, v33;
	[tilespmem:s8+$0xFFFFFFE0] =	vst.add.f32.msk $0xffff, v32  }
0xee: {  	v23 =	vmul.f32 $1.442695020e+00, v1;
	(erf) = vpow2.f32 v25;
	[tilespmem:s8+$0xFFFFFFD0] =	vst.add.f32.msk $0xffff, v26  }
0xef: {  	v24 =	vmul.f32 $1.442695020e+00, v16;
	v7 =	vmul.f32 v12, v7  }
0xf0: {  	v21 =	vmul.f32 v21, v21;
	v19 =	vmul.f32 v19, v19  }
0xf1: {  	v25 =	vpop (erf);
	v47 =	vmul.f32 $1.442695020e+00, v20;
	v18 =	vmul.f32 v18, v18  }
0xf2: {  	v26 =	vld [tilespmem:s14+$0xFFFFFFF0];
	(erf) = vpow2.f32 v23;
	v5 =	vmul.f32 v25, v5  }
0xf3: {  	v11 =	vld.idx.msk [tilespmem:v11+s22+$0x0], $0xffff;
	v27 =	vpop (erf);
	(erf) = vpow2.f32 v24;
	v22 =	vmul.f32 v22, v22  }
0xf4: {  	v50 =	vld.idx.msk [tilespmem:v9+s23+$0x0], $0xffff;
	v29 =	vmul.f32 $1.442695020e+00, v21;
	v33 =	vmul.f32 $1.442695020e+00, v19  }
0xf5: {  	v52 =	vld.idx.msk [tilespmem:v15+s22+$0x0], $0xffff;
	v34 =	vmul.f32 $1.442695020e+00, v18;
	v28 =	vpop (erf);
	v6 =	vmul.f32 v27, v6  }
0xf6: {  	v53 =	vld.idx.msk [tilespmem:v15+s23+$0x0], $0xffff;
	(erf) = vpow2.f32 v47;
	v30 =	vpop (erf);
	v31 =	vmul.f32 $1.442695020e+00, v22  }
0xf7: {  	v48 =	vld [tilespmem:s14+$0x0];
	v2 =	vmul.f32 v28, v2;
	v8 =	vmul.f32 v30, v8  }
0xf8: {  	v32 =	vld.idx.msk [tilespmem:v9+s22+$0x0], $0xffff;
	v49 =	vpop (erf);
	(erf) = vpow2.f32 v29;
	v11 =	vmul.f32 v11, v11  }
0xf9: {  	v9 =	vmul.f32 v50, v50;
	v13 =	vmul.f32 v49, v13  }
0xfa: {  	(erf) = vpow2.f32 v33;
	v33 =	vmul.f32 v52, v52  }
0xfb: {  	v15 =	vmul.f32 v53, v53;
	v54 =	vmul.f32 $1.442695020e+00, v11  }
0xfc: {  	v56 =	vmul.f32 $1.442695020e+00, v9;
	v51 =	vpop (erf);
	v35 =	vld.idx.msk [tilespmem:v26+s23+$0x0], $0xffff;
	(erf) = vpow2.f32 v31  }
0xfd: {  	v31 =	vmul.f32 v32, v32;
	v61 =	vmul.f32 $1.442695020e+00, v33  }
0xfe: {  	v60 =	vadd.f32 v27, v30;
	v26 =	vld.idx.msk [tilespmem:v26+s22+$0x0], $0xffff;
	v27 =	vmul.f32 $1.442695020e+00, v15;
	v10 =	vmul.f32 v51, v10  }
0xff: {  	v3 =	vadd.f32 v12, v3;
	v37 =	vld.idx.msk [tilespmem:v48+s23+$0x0], $0xffff;
	(erf) = vpow2.f32 v34;
	v55 =	vmul.f32 $1.442695020e+00, v31;
	v36 =	vpop (erf)  }
0x100: {  	v2 =	vpack.i.f32.bf16 v2, v5;
	(erf) = vpow2.f32 v54;
	v1 =	vmul.f32 v36, v1  }
0x101: {  	[tilespmem:s9+$0x10] =	vst v2;
	v2 =	vpack.i.f32.bf16 v7, v4;
	v24 =	vld.idx.msk [tilespmem:v48+s22+$0x0], $0xffff;
	v57 =	vpop (erf);
	(erf) = vpow2.f32 v55;
	v35 =	vmul.f32 v35, v35  }
0x102: {  	[tilespmem:s8+$0x0] =	vst.add.f32.msk $0xffff, v14;
	v44 =	vadd.f32 v49, v51;
	v49 =	vmul.f32 v57, v16;
	(erf) = vpow2.f32 v56  }
0x103: {  	[tilespmem:s9+$0xFFFFFFE0] =	vst v2;
	v2 =	vpack.i.f32.bf16 v13, v10;
	v26 =	vmul.f32 v26, v26;
	v62 =	vmul.f32 $1.442695020e+00, v35  }
0x104: {  	[tilespmem:s8+$0xFFFFFFF0] =	vst.add.f32.msk $0xffff, v17;
	v6 =	vpack.i.f32.bf16 v6, v8;
	v58 =	vpop (erf);
	v63 =	vmul.f32 v37, v37;
	(erf) = vpow2.f32 v61  }
0x105: {  	v41 =	vadd.f32 v28, v25;
	[tilespmem:s9+$0xFFFFFFF0] =	vst v6;
	v37 =	vpop (erf);
	v30 =	vmul.f32 $1.442695020e+00, v26;
	(erf) = vpow2.f32 v62  }
0x106: {  	[tilespmem:s9+$0x0] =	vst v2;
	v38 =	vmul.f32 v24, v24;
	v2 =	vpop (erf);
	(erf) = vpow2.f32 v27  }
0x107: {  	[tilespmem:s7+$0x0] =	vst.add.f32.msk $0xffff, v41;
	v59 =	vmul.f32 v58, v20;
	v40 =	vpop (erf);
	(erf) = vpow2.f32 v30  }
0x108: {  	[tilespmem:s7+$0xFFFFFFD0] =	vst.add.f32.msk $0xffff, v3;
	v39 =	vmul.f32 $1.442695020e+00, v63;
	v43 =	vmul.f32 $1.442695020e+00, v38;
	v3 =	vpop (erf)  }
0x109: {  	[tilespmem:s7+$0xFFFFFFE0] =	vst.add.f32.msk $0xffff, v60;
	v55 =	vadd.f32 v57, v36;
	v46 =	vmul.f32 v2, v19;
	v47 =	vpop (erf);
	v51 =	vmul.f32 v3, v18  }
0x10a: {  	s15 =	sadd.s32 $0x40, s15;
	[tilespmem:s7+$0xFFFFFFF0] =	vst.add.f32.msk $0xffff, v44;
	v1 =	vpack.i.f32.bf16 v49, v1;
	(erf) = vpow2.f32 v39;
	v52 =	vmul.f32 v47, v11  }
0x10b: {  	s3 =	sadd.s32 $0x40, s3;
	[tilespmem:s15+$0xFFFFFFE0] =	vst v1;
	(erf) = vpow2.f32 v43;
	v48 =	vpop (erf)  }
0x10c: {  	v2 =	vadd.f32 v2, v58;
	[tilespmem:s3+$0xFFFFFFD0] =	vst.add.f32.msk $0xffff, v55;
	v7 =	vpack.i.f32.bf16 v46, v59;
	v50 =	vpop (erf);
	v1 =	vpack.i.f32.bf16 v51, v52  }
0x10d: {  	v42 =	vmul.f32 v37, v21;
	v45 =	vmul.f32 v40, v22;
	[tilespmem:s15+$0x10] =	vst v7;
	v53 =	vpop (erf)  }
0x10e: {  	[tilespmem:s3+$0x0] =	vst.add.f32.msk $0xffff, v2;
	v54 =	vpop (erf)  }
0x10f: {  	v4 =	vadd.f32 v37, v40;
	v10 =	vpack.i.f32.bf16 v42, v45;
	[tilespmem:s15+$0x0] =	vst v1;
	v1 =	vpop (erf)  }
0x110: {  	v3 =	vadd.f32 v3, v47;
	[tilespmem:s15+$0xFFFFFFF0] =	vst v10;
	v2 =	vmul.f32 v53, v33;
	v56 =	vpop (erf);
	v60 =	vmul.f32 v1, v15  }
0x111: {  	[tilespmem:s3+$0xFFFFFFE0] =	vst.add.f32.msk $0xffff, v4;
	v57 =	vmul.f32 v54, v35;
	v58 =	vmul.f32 v56, v26  }
0x112: {  	s16 =	sadd.s32 $0x40, s15;
	v61 =	vmul.f32 v48, v31;
	v9 =	vmul.f32 v50, v9;
	[tilespmem:s3+$0xFFFFFFF0] =	vst.add.f32.msk $0xffff, v3;
	v2 =	vpack.i.f32.bf16 v60, v2  }
0x113: {  	v59 =	vpop (erf);
	v3 =	vpack.i.f32.bf16 v57, v58;
	[tilespmem:s16+$0x10] =	vst v2  }
0x114: {  	v1 =	vadd.f32 v1, v53;
	v62 =	vpop (erf);
	v2 =	vpack.i.f32.bf16 v9, v61;
	[tilespmem:s16+$0xFFFFFFF0] =	vst v3  }
0x115: {  	s0 =	sshll.u32 s0, $0x7;
	s2 =	sadd.s32 $0x1, s2;
	s3 =	sadd.s32 $0x40, s3;
	v4 =	vadd.f32 v54, v56;
	v63 =	vmul.f32 v59, v63;
	v3 =	vmul.f32 v62, v38;
	[tilespmem:s16+$0xFFFFFFE0] =	vst v2  }
0x116: {  	s0 =	sand.u32 $0x380, s0;
	p2 =	sne.s32 s2, $0x10;
	[tilespmem:s3+$0x0] =	vst.add.f32.msk $0xffff, v1  }
.Ltmp3:
0x117: {  	s0 =	sor.u32 s0, s13;
	[tilespmem:s3+$0xFFFFFFE0] =	vst.add.f32.msk $0xffff, v4;
	v2 =	vpack.i.f32.bf16 v63, v3;
	v3 =	vadd.f32 v50, v48;
	(pc) =	sbr.rel @p2 .LBB2_4-.Ltmp3, $4  }
0x118: {  	s0 =	sor.u32 s30, s0;
	[tilespmem:s16+$0x0] =	vst v2;
	v2 =	vadd.f32 v59, v62  }
0x119: {  	s0 =	sshrl.u32 s0, $0x3;
	[tilespmem:s3+$0xFFFFFFD0] =	vst.add.f32.msk $0xffff, v3  }
0x11a: {  	s0 =	sadd.s32 s4, s0;
	[tilespmem:s3+$0xFFFFFFF0] =	vst.add.f32.msk $0xffff, v2  }
0x11b: {  	[hbm4b:s0+s17] =	stream.strided.scatter [tilespmem:s26], [sflag:$0x4], $0x1000, s18, s17, $0x38;
	[tilespmem:$0x14000] =	vst v63  }
0x11c: {  	_ =	swait.ge [sflag:s28], $0x1000  }
0x11d: {  	[sflag:s28] =	ssyncset.done $0x0  }
0x11e: {  	[sflag:s28] =	ssyncadd.s32 $0xFFFFF000  }
0x11f: {  	_ =	swait.ge [sflag:s29], $0x1000  }
0x120: {  	s0 =	simm.s32 @!p0 $0x80;
	s2 =	simm.s32 @!p0 $0x400;
	[sflag:s29] =	ssyncset.done $0x0  }
0x121: {  	s3 =	simm.s32 @!p0 $0x13000;
	s7 =	rddreg [dreg:$0x7];
	[sflag:s29] =	ssyncadd.s32 $0xFFFFF000  }
0x122: {  	[hbm4b:s7+s0] =	stream.strided.scatter @!p0 [tilespmem:s3], [sflag:$0x5], $0x1000, s2, s0, $0x38;
	[tilespmem:$0x14000] =	vst v63  }
0x123: {  	s0 =	simm.s32 @!p0 $0x5  }
0x124: {  	_ =	swait.ge @!p0 [sflag:s0], $0x1000  }
0x125: {  	[sflag:s0] =	ssyncset.done @!p0 $0x0  }
0x126: {  	s2 =	simm.s32 @p1 $0x13000;
	[sflag:s0] =	ssyncadd.s32 @!p0 $0xFFFFF000;
	s0 =	rddreg @p1 [dreg:$0x8]  }
0x127: {  	[hbm4b:s0+s17] =	stream.strided.scatter @p1 [tilespmem:s2], [sflag:$0x5], $0x1000, s18, s17, $0x38;
	[tilespmem:$0x14000] =	vst v63  }
0x128: {  	_ =	swait.ge @p1 [sflag:s19], $0x1000  }
0x129: {  	s31 =	sadd.s32 $0x1, s31;
	s30 =	rddreg [dreg:$0x9]  }
0x12a: {  	p2 =	sne.s32 s31, s30  }
.Ltmp4:
0x12b: {  	_ = 	snop;
	(pc) =	sbr.rel @p2 .LBB2_1-.Ltmp4, $3  }
0x12c: {  	_ =	sdelay $0x1  }
0x12d: {  	[sflag:s19] =	ssyncset.done @p1 $0x0  }
0x12e: {  	[sflag:s19] =	ssyncadd.s32 @p1 $0xFFFFF000  }
0x12f: {  	_ =	sfence.sel $0x180000  }
0x130: {  	[bflag:$0x0] =	sbarrier.arrive $0xFFFF  }
0x131: {  	_ =	strace $0x90000047  }
0x132: {  	s0 =	stileid.u32;
	[bflag:$0x2] =	sbarrier.arrive $0xFFFF  }
0x133: {  	p0 =	sne.s32 s0, $0x0;
	s0 =	rddreg [dreg:$0x3]  }
0x134: {  	s0 =	sadd.s32 @!p0 $0x100000, s0  }
0x135: {  	[sflag:s0] =	ssyncadd.tile.s32 @!p0 $0x1;
	_ =	shalt  }
.Lfunc_end2:
_tile_overlayer_lowered:
.L_overlay_start_2:
0x136: {  	(tag) =	ssettag $0x2  }
0x137: {  	s0 =	rddreg [dreg:$0x0];
	s2 =	stileid.u32  }
0x138: {  	s1 =	rddreg [dreg:$0x1];
	p0 =	sne.s32 s2, $0x0  }
0x139: {  	s3 =	rddreg [dreg:$0x2];
	[bflag:$0x3] =	sbarrier.arrive $0xFFFF;
	s2 =	simm.s32 @!p0 $0x1C05  }
0x13a: {  	[timem:s3], [sflag:s2] =	dma.local @!p0 [hbm:s0], s1  }
0x13b: {  	s0 =	simm.s32 @!p0 $0x5  }
0x13c: {  	_ =	swait.ge @!p0 [sflag:s0], s1  }
0x13d: {  	s1 =	ssub.s32 @!p0 $0x0, s1;
	[sflag:s0] =	ssyncset.done @!p0 $0x0  }
0x13e: {  	[sflag:s0] =	ssyncadd.s32 @!p0 s1  }
0x13f: {  	[bflag:$0x3] =	sbarrier.arrive $0xFFFF  }
0x140: {  	_ =	shalt  }

</sc_bundles>
